<compile_context>
chip_gen: v7x
topology: tpu7x:2x2x1
jax: 0.10.2.dev20260603
libtpu: 0.0.44.dev20260713+nightly
codegen_flags: <defaults>
</compile_context>

<pallas_src>
import functools

import jax
import jax.numpy as jnp
from jax import lax
from jax.experimental import pallas as pl
from jax.experimental.pallas import tpu as pltpu
from jax.experimental.pallas import tpu_sc as plsc

B, D, KH, KN = 1024, 16, 100000, 5
BT, KT = 256, 2048
KHP = 102400
NEG = float(-3.0e38)
IMAX = 2**31 - 1
NC, NS = 2, 16
NW = NC * NS
ROWS_PER_W = (B * KN) // NW


G = 128
NG = KHP // G
GPT = KT // G
NT = KHP // KT


def _colscale_kernel(ht_ref, o_ref):
    ht = ht_ref[...]
    hn2 = jnp.sum(ht * ht, axis=0, keepdims=True)
    inv = 1.0 / jnp.maximum(jnp.sqrt(hn2), 1e-8)
    col = lax.broadcasted_iota(jnp.int32, (1, KHP), 1)
    o_ref[...] = jnp.where(col < KH, inv, 0.0)


_colscale = pl.pallas_call(
    _colscale_kernel,
    out_shape=jax.ShapeDtypeStruct((1, KHP), jnp.float32),
)


def _scan_kernel(xl_ref, ht_ref, inv_ref, gm_ref):
    xl = xl_ref[...]
    dot = lax.dot_general(xl, ht_ref[...], (((1,), (0,)), ((), ())),
                          preferred_element_type=jnp.float32)
    v = dot * inv_ref[...]
    gm_ref[...] = jnp.max(v.reshape(B, GPT, G), axis=2)[None]


_scan = pl.pallas_call(
    _scan_kernel,
    grid=(NT,),
    in_specs=[
        pl.BlockSpec((B, D), lambda k: (0, 0)),
        pl.BlockSpec((D, KT), lambda k: (0, k)),
        pl.BlockSpec((1, KT), lambda k: (0, k)),
    ],
    out_specs=pl.BlockSpec((1, B, GPT), lambda k: (k, 0, 0)),
    out_shape=jax.ShapeDtypeStruct((NT, B, GPT), jnp.float32),
)


def _gtopk_kernel(gm_ref, gi_ref):
    v = gm_ref[...]
    cols = lax.broadcasted_iota(jnp.int32, (B, NG), 1)
    v = jnp.where(cols < (KH + G - 1) // G, v, NEG)
    gis = []
    for _ in range(KN):
        m = jnp.max(v, axis=1, keepdims=True)
        sel = jnp.min(jnp.where(v == m, cols, IMAX), axis=1, keepdims=True)
        gis.append(sel)
        v = jnp.where(cols == sel, NEG, v)
    gi_ref[...] = jnp.concatenate(gis, axis=1)


_gtopk = pl.pallas_call(
    _gtopk_kernel,
    out_shape=jax.ShapeDtypeStruct((B, KN), jnp.int32),
)

GW = (B * KN) // NW
NCH = 10
CHG = GW // NCH


@functools.lru_cache(maxsize=1)
def _sc_group_gather():
    mesh = plsc.VectorSubcoreMesh(core_axis_name="c", subcore_axis_name="s")

    @functools.partial(
        pl.kernel,
        mesh=mesh,
        out_type=jax.ShapeDtypeStruct((B * KN, D * G), jnp.float32),
        scratch_types=[
            pltpu.VMEM((NCH, CHG), jnp.int32),
            pltpu.VMEM((CHG, D * G), jnp.float32),
            pltpu.VMEM((CHG, D * G), jnp.float32),
            pltpu.SemaphoreType.DMA,
            pltpu.SemaphoreType.DMA,
            pltpu.SemaphoreType.DMA,
            pltpu.SemaphoreType.DMA,
        ],
    )
    def gather(table_hbm, idx_hbm, out_hbm, idx_v, b0, b1, s0, s1, w0, w1):
        wid = lax.axis_index("s") * NC + lax.axis_index("c")
        base = wid * GW
        pltpu.sync_copy(idx_hbm.at[wid], idx_v)
        bufs, sems, wsems = [b0, b1], [s0, s1], [w0, w1]
        cps, wbs = [None, None], [None, None]
        for c in range(NCH):
            if wbs[c % 2] is not None:
                wbs[c % 2].wait()
            cps[c % 2] = pltpu.async_copy(table_hbm.at[idx_v.at[c]],
                                          bufs[c % 2], sems[c % 2])
            if c > 0:
                cps[(c - 1) % 2].wait()
                wbs[(c - 1) % 2] = pltpu.async_copy(
                    bufs[(c - 1) % 2],
                    out_hbm.at[pl.ds(base + (c - 1) * CHG, CHG)],
                    wsems[(c - 1) % 2])
        last = NCH - 1
        cps[last % 2].wait()
        pltpu.async_copy(bufs[last % 2],
                         out_hbm.at[pl.ds(base + last * CHG, CHG)],
                         wsems[last % 2]).wait()
        wbs[(last - 1) % 2].wait()

    return gather


SB = 640
QB = SB // KN


def _ctopk_kernel(cand_ref, xl5_ref, gi_ref, xl_ref, tv_ref, ti_ref):
    c3 = cand_ref[...].reshape(SB, D, G)
    x3 = xl5_ref[...].reshape(SB, D, 1)
    cb = c3.astype(jnp.bfloat16).astype(jnp.float32)
    xb = x3.astype(jnp.bfloat16).astype(jnp.float32)
    dotc = jnp.sum(cb * xb, axis=1)
    hn2 = jnp.sum(c3 * c3, axis=1)
    dv = dotc.reshape(QB, KN * G)
    hn = jnp.maximum(jnp.sqrt(hn2.reshape(QB, KN * G)), 1e-8)
    xl = xl_ref[...]
    xn = jnp.maximum(jnp.sqrt(jnp.sum(xl * xl, axis=1, keepdims=True)), 1e-8)
    v = dv / (xn * hn)
    gi = gi_ref[...]
    pos = lax.broadcasted_iota(jnp.int32, (QB, KN * G), 1)
    pj = pos // G
    gsel = jnp.zeros((QB, KN * G), dtype=jnp.int32)
    for j in range(KN):
        gsel = jnp.where(pj == j, gi[:, j:j + 1], gsel)
    gidx = gsel * G + (pos - pj * G)
    v = jnp.where(gidx < KH, v, NEG)
    tvs, tis = [], []
    for _ in range(KN):
        m = jnp.max(v, axis=1, keepdims=True)
        sel = jnp.min(jnp.where(v == m, gidx, IMAX), axis=1, keepdims=True)
        tvs.append(m)
        tis.append(sel)
        v = jnp.where(gidx == sel, NEG, v)
    tv_ref[...] = jnp.concatenate(tvs, axis=1)
    ti_ref[...] = jnp.concatenate(tis, axis=1)


_ctopk = pl.pallas_call(
    _ctopk_kernel,
    grid=((B * KN) // SB,),
    in_specs=[
        pl.BlockSpec((SB, D * G), lambda i: (i, 0)),
        pl.BlockSpec((SB, D), lambda i: (i, 0)),
        pl.BlockSpec((QB, KN), lambda i: (i, 0)),
        pl.BlockSpec((QB, D), lambda i: (i, 0)),
    ],
    out_specs=[
        pl.BlockSpec((QB, KN), lambda i: (i, 0)),
        pl.BlockSpec((QB, KN), lambda i: (i, 0)),
    ],
    out_shape=[
        jax.ShapeDtypeStruct((B, KN), jnp.float32),
        jax.ShapeDtypeStruct((B, KN), jnp.int32),
    ],
)


GROUP = 128 // D
CH = ROWS_PER_W // 2


@functools.lru_cache(maxsize=1)
def _sc_gather():
    mesh = plsc.VectorSubcoreMesh(core_axis_name="c", subcore_axis_name="s")

    @functools.partial(
        pl.kernel,
        mesh=mesh,
        out_type=jax.ShapeDtypeStruct((B * KN, 128), jnp.float32),
        scratch_types=[
            pltpu.VMEM((2, CH), jnp.int32),
            pltpu.VMEM((ROWS_PER_W, 128), jnp.float32),
            pltpu.SemaphoreType.DMA,
        ],
    )
    def gather(table_hbm, idx_hbm, out_hbm, idx_v, rows_v, sem):
        wid = lax.axis_index("s") * NC + lax.axis_index("c")
        base = wid * ROWS_PER_W
        pltpu.sync_copy(idx_hbm.at[wid], idx_v)
        cp0 = pltpu.async_copy(table_hbm.at[idx_v.at[0]],
                               rows_v.at[pl.ds(0, CH)], sem)
        cp1 = pltpu.async_copy(table_hbm.at[idx_v.at[1]],
                               rows_v.at[pl.ds(CH, CH)], sem)
        cp0.wait()
        cp1.wait()
        pltpu.sync_copy(rows_v, out_hbm.at[pl.ds(base, ROWS_PER_W)])

    return gather


def _fuse_kernel(tv_ref, ti_ref, rows_ref, xl_ref, w1a_ref, w1b_ref, b1_ref,
                 w2_ref, b2_ref, g_ref, bt_ref, o_ref):
    tv = tv_ref[...]
    m = jnp.max(tv, axis=1, keepdims=True)
    e = jnp.exp(tv - m)
    w = e / jnp.sum(e, axis=1, keepdims=True)
    rows = rows_ref[...]
    ti = ti_ref[...]
    ws = jnp.zeros((B, D), dtype=jnp.float32)
    for j in range(KN):
        sub = lax.rem(ti[:, j:j + 1], GROUP)
        hj = jnp.zeros((B, D), dtype=jnp.float32)
        for s in range(GROUP):
            sl = rows[:, j * 128 + s * D:j * 128 + (s + 1) * D]
            hj = jnp.where(sub == s, sl, hj)
        ws = ws + w[:, j:j + 1] * hj
    xl = xl_ref[...]
    dn = (((1,), (0,)), ((), ()))
    h = lax.dot_general(xl, w1a_ref[...], dn,
                        preferred_element_type=jnp.float32,
                        precision=lax.Precision.HIGHEST)
    h = h + lax.dot_general(ws, w1b_ref[...], dn,
                            preferred_element_type=jnp.float32,
                            precision=lax.Precision.HIGHEST)
    h = jnp.maximum(h + b1_ref[...], 0.0)
    h2 = lax.dot_general(h, w2_ref[...], dn,
                         preferred_element_type=jnp.float32,
                         precision=lax.Precision.HIGHEST) + b2_ref[...]
    mu = jnp.mean(h2, axis=1, keepdims=True)
    var = jnp.mean((h2 - mu) ** 2, axis=1, keepdims=True)
    o_ref[...] = (h2 - mu) / jnp.sqrt(var + 1e-5) * g_ref[...] + bt_ref[...]


_fuse = pl.pallas_call(
    _fuse_kernel,
    out_shape=jax.ShapeDtypeStruct((B, D), jnp.float32),
)


def kernel(x, historical_data, W1, b1, W2, b2, gamma, beta):
    xl = x[:, -1, :]
    ht = jnp.pad(historical_data.T, ((0, 0), (0, KHP - KH)))
    gm = _scan(xl, ht, _colscale(ht))
    gi = _gtopk(gm.transpose(1, 0, 2).reshape(B, NG))
    table_g = ht.reshape(D, NG, G).transpose(1, 0, 2).reshape(NG, D * G)
    cand = _sc_group_gather()(table_g, gi.reshape(NW, NCH, CHG))
    xl5 = jnp.repeat(xl, KN, axis=0)
    tv, ti = _ctopk(cand, xl5, gi, xl)
    table8 = historical_data.reshape(KH // GROUP, 128)
    idx_g = (ti // GROUP).reshape(NW, 2, CH)
    rows = _sc_gather()(table8, idx_g)
    w1a = W1[:D]
    w1b = W1[D:].reshape(KN, D, 2 * D).sum(axis=0)
    out = _fuse(tv, ti, rows.reshape(B, KN * 128), xl, w1a, w1b,
                b1.reshape(1, -1), W2, b2.reshape(1, -1),
                gamma.reshape(1, -1), beta.reshape(1, -1))
    return out

# --- scband reference (transcript-rebuilt; emitter-appended) ---
"""Pipeline reference for scband-retrieval-augmented-layer-17403207483534 (READ-ONLY COPY).

The authoritative reference and input builder live on the scoring server;
editing this copy changes nothing except your own understanding.
"""

import jax, jax.numpy as jnp
import numpy as np

B, L, D, K_HIST, K_NEIGH = 1024, 20, 16, 100000, 5


def setup_inputs(seed: int = 0) -> dict:
    key = jax.random.key(seed)
    ks = jax.random.split(key, 8)
    x = jax.random.normal(ks[0], (B, L, D), dtype=jnp.float32)
    historical_data = jax.random.normal(ks[1], (K_HIST, D), dtype=jnp.float32)
    fan_in1 = D * (K_NEIGH + 1)
    lim1 = 1.0 / np.sqrt(fan_in1)
    W1 = jax.random.uniform(ks[2], (fan_in1, 2 * D), minval=-lim1, maxval=lim1, dtype=jnp.float32)
    b1 = jax.random.uniform(ks[3], (2 * D,), minval=-lim1, maxval=lim1, dtype=jnp.float32)
    lim2 = 1.0 / np.sqrt(2 * D)
    W2 = jax.random.uniform(ks[4], (2 * D, D), minval=-lim2, maxval=lim2, dtype=jnp.float32)
    b2 = jax.random.uniform(ks[5], (D,), minval=-lim2, maxval=lim2, dtype=jnp.float32)
    gamma = jnp.ones((D,), dtype=jnp.float32)
    beta = jnp.zeros((D,), dtype=jnp.float32)
    return {"x": x, "historical_data": historical_data, "W1": W1, "b1": b1, "W2": W2, "b2": b2, "gamma": gamma, "beta": beta}


def reference(x, historical_data, W1, b1, W2, b2, gamma, beta):
    eps = 1e-8
    # retrieve_similar
    x_last = x[:, -1, :]                                   # [B, D]
    xn = jnp.maximum(jnp.linalg.norm(x_last, axis=-1, keepdims=True), eps)      # [B, 1]
    hn = jnp.maximum(jnp.linalg.norm(historical_data, axis=-1, keepdims=True), eps)  # [K, 1]
    similarities = (x_last @ historical_data.T) / (xn * hn.T)  # [B, K] cosine similarity
    top_k_values, top_k_indices = jax.lax.top_k(similarities, K_NEIGH)  # [B, k]
    weights = jax.nn.softmax(top_k_values, axis=-1)            # [B, k]
    similar_sequences = jnp.take(historical_data, top_k_indices, axis=0)  # [B, k, D] gather
    weighted_sequences = jnp.sum(similar_sequences * weights[..., None], axis=1)  # [B, D]
    x_augmented = jnp.concatenate([x_last] + [weighted_sequences] * K_NEIGH, axis=-1)  # [B, D*(k+1)]
    # fusion_layer: Linear -> ReLU -> Dropout(eval: identity) -> Linear -> LayerNorm
    h = jnp.maximum(x_augmented @ W1 + b1, 0.0)
    h = h @ W2 + b2
    mu = jnp.mean(h, axis=-1, keepdims=True)
    var = jnp.var(h, axis=-1, keepdims=True)
    out = (h - mu) / jnp.sqrt(var + 1e-5) * gamma + beta
    return out

if __name__ == "__main__":
    import jax
    _d = setup_inputs()
    print(jax.jit(kernel)(*tuple(_d.values())))

</pallas_src>

<mosaic_0001>
#map = affine_map<(d0, d1) -> (0, 0)>
#map1 = affine_map<(d0, d1) -> (0, 0, 0)>
module attributes {stable_mosaic.version = 14 : i64} {
  func.func @gather(%arg0: i32, %arg1: i32, %arg2: memref<800x2048xf32, #tpu.memory_space<hbm>>, %arg3: memref<32x10x16xi32, #tpu.memory_space<hbm>>, %arg4: memref<5120x2048xf32, #tpu.memory_space<hbm>>, %arg5: memref<10x16xi32, #tpu.memory_space<vmem>>, %arg6: memref<16x2048xf32, #tpu.memory_space<vmem>>, %arg7: memref<16x2048xf32, #tpu.memory_space<vmem>>, %arg8: memref<!tpu.dma_semaphore, #tpu.memory_space<semaphore_mem>>, %arg9: memref<!tpu.dma_semaphore, #tpu.memory_space<semaphore_mem>>, %arg10: memref<!tpu.dma_semaphore, #tpu.memory_space<semaphore_mem>>, %arg11: memref<!tpu.dma_semaphore, #tpu.memory_space<semaphore_mem>>) attributes {dimension_semantics = [#tpu.dimension_semantics<core_parallel>, #tpu.dimension_semantics<subcore_parallel>], iteration_bounds = array<i64: 2, 16>, scalar_prefetch = 0 : i64, scratch_operands = 7 : i64, tpu.core_type = #tpu.core_type<sc_vector_subcore>, window_params = [{transform_indices = #map}, {transform_indices = #map1}, {transform_indices = #map}]} {
    %mul3A = arith.constant 2 : i32
    %mul3A_0 = arith.muli %arg1, %mul3A : i32
    %add3A = arith.addi %mul3A_0, %arg0 : i32
    %mul3A_1 = arith.constant 160 : i32
    %mul3A_2 = arith.muli %add3A, %mul3A_1 : i32
    "tpu.region"() ({
      %run_scoped3A = tpu.sem_alloc : memref<!tpu.dma_semaphore, #tpu.memory_space<semaphore_mem>>
      %dma_start3A_241 = arith.constant 0 : i32
      %dma_start3A_242 = arith.constant 0 : i32
      %dma_start3A_243 = tpu.memref_slice %arg3[%add3A, %dma_start3A_241, %dma_start3A_242] : memref<32x10x16xi32, #tpu.memory_space<hbm>> -> memref<1x10x16xi32, #tpu.memory_space<hbm>>
      %dma_start3A_244 = tpu.memref_squeeze %dma_start3A_243 : memref<1x10x16xi32, #tpu.memory_space<hbm>> -> memref<10x16xi32, #tpu.memory_space<hbm>>
      %dma_start3A_245 = arith.constant 0 : i32
      %dma_start3A_246 = arith.constant 0 : i32
      %dma_start3A_247 = tpu.memref_slice %arg3[%add3A, %dma_start3A_245, %dma_start3A_246] : memref<32x10x16xi32, #tpu.memory_space<hbm>> -> memref<1x10x16xi32, #tpu.memory_space<hbm>>
      %dma_start3A_248 = tpu.memref_squeeze %dma_start3A_247 : memref<1x10x16xi32, #tpu.memory_space<hbm>> -> memref<10x16xi32, #tpu.memory_space<hbm>>
      tpu.enqueue_dma source(%dma_start3A_248 : memref<10x16xi32, #tpu.memory_space<hbm>>) target(%arg5 : memref<10x16xi32, #tpu.memory_space<vmem>>) target_semaphore(%run_scoped3A : memref<!tpu.dma_semaphore, #tpu.memory_space<semaphore_mem>>)
      %dma_wait3A_249 = arith.constant 0 : i32
      %dma_wait3A_250 = arith.constant 0 : i32
      %dma_wait3A_251 = tpu.memref_slice %arg3[%add3A, %dma_wait3A_249, %dma_wait3A_250] : memref<32x10x16xi32, #tpu.memory_space<hbm>> -> memref<1x10x16xi32, #tpu.memory_space<hbm>>
      %dma_wait3A_252 = tpu.memref_squeeze %dma_wait3A_251 : memref<1x10x16xi32, #tpu.memory_space<hbm>> -> memref<10x16xi32, #tpu.memory_space<hbm>>
      %dma_wait3A_253 = arith.constant 0 : i32
      %dma_wait3A_254 = arith.constant 0 : i32
      %dma_wait3A_255 = tpu.memref_slice %arg3[%add3A, %dma_wait3A_253, %dma_wait3A_254] : memref<32x10x16xi32, #tpu.memory_space<hbm>> -> memref<1x10x16xi32, #tpu.memory_space<hbm>>
      %dma_wait3A_256 = tpu.memref_squeeze %dma_wait3A_255 : memref<1x10x16xi32, #tpu.memory_space<hbm>> -> memref<10x16xi32, #tpu.memory_space<hbm>>
      tpu.wait_dma2 semaphore(%run_scoped3A : memref<!tpu.dma_semaphore, #tpu.memory_space<semaphore_mem>>) src(%dma_wait3A_256 : memref<10x16xi32, #tpu.memory_space<hbm>>) dst(%arg5 : memref<10x16xi32, #tpu.memory_space<vmem>>)
      tpu.yield
    }) : () -> ()
    %dma_start3A = arith.constant 0 : i32
    %dma_start3A_3 = arith.constant 0 : i32
    %dma_start3A_4 = tpu.memref_slice %arg5[%dma_start3A, %dma_start3A_3] : memref<10x16xi32, #tpu.memory_space<vmem>> -> memref<1x16xi32, #tpu.memory_space<vmem>>
    %dma_start3A_5 = tpu.memref_squeeze %dma_start3A_4 : memref<1x16xi32, #tpu.memory_space<vmem>> -> memref<16xi32, #tpu.memory_space<vmem>>
    %dma_start3A_6 = arith.constant 0 : i32
    %dma_start3A_7 = arith.constant 0 : i32
    %dma_start3A_8 = tpu.memref_slice %arg2[%dma_start3A_6, %dma_start3A_7] : memref<800x2048xf32, #tpu.memory_space<hbm>> -> memref<800x2048xf32, #tpu.memory_space<hbm>>
    tpu.enqueue_indirect_dma source(%dma_start3A_8 : memref<800x2048xf32, #tpu.memory_space<hbm>>) target(%arg6 : memref<16x2048xf32, #tpu.memory_space<vmem>>) offsets(%dma_start3A_5 : memref<16xi32, #tpu.memory_space<vmem>>) semaphore(%arg8 : memref<!tpu.dma_semaphore, #tpu.memory_space<semaphore_mem>>)
    %dma_start3A_9 = arith.constant 1 : i32
    %dma_start3A_10 = arith.constant 0 : i32
    %dma_start3A_11 = tpu.memref_slice %arg5[%dma_start3A_9, %dma_start3A_10] : memref<10x16xi32, #tpu.memory_space<vmem>> -> memref<1x16xi32, #tpu.memory_space<vmem>>
    %dma_start3A_12 = tpu.memref_squeeze %dma_start3A_11 : memref<1x16xi32, #tpu.memory_space<vmem>> -> memref<16xi32, #tpu.memory_space<vmem>>
    %dma_start3A_13 = arith.constant 0 : i32
    %dma_start3A_14 = arith.constant 0 : i32
    %dma_start3A_15 = tpu.memref_slice %arg2[%dma_start3A_13, %dma_start3A_14] : memref<800x2048xf32, #tpu.memory_space<hbm>> -> memref<800x2048xf32, #tpu.memory_space<hbm>>
    tpu.enqueue_indirect_dma source(%dma_start3A_15 : memref<800x2048xf32, #tpu.memory_space<hbm>>) target(%arg7 : memref<16x2048xf32, #tpu.memory_space<vmem>>) offsets(%dma_start3A_12 : memref<16xi32, #tpu.memory_space<vmem>>) semaphore(%arg9 : memref<!tpu.dma_semaphore, #tpu.memory_space<semaphore_mem>>)
    %dma_wait3A = arith.constant 0 : i32
    %dma_wait3A_16 = arith.constant 0 : i32
    %dma_wait3A_17 = tpu.memref_slice %arg5[%dma_wait3A, %dma_wait3A_16] : memref<10x16xi32, #tpu.memory_space<vmem>> -> memref<1x16xi32, #tpu.memory_space<vmem>>
    %dma_wait3A_18 = tpu.memref_squeeze %dma_wait3A_17 : memref<1x16xi32, #tpu.memory_space<vmem>> -> memref<16xi32, #tpu.memory_space<vmem>>
    %dma_wait3A_19 = arith.constant 0 : i32
    %dma_wait3A_20 = arith.constant 0 : i32
    %dma_wait3A_21 = tpu.memref_slice %arg2[%dma_wait3A_19, %dma_wait3A_20] : memref<800x2048xf32, #tpu.memory_space<hbm>> -> memref<800x2048xf32, #tpu.memory_space<hbm>>
    tpu.wait_indirect_dma semaphore(%arg8 : memref<!tpu.dma_semaphore, #tpu.memory_space<semaphore_mem>>) src(%dma_wait3A_21 : memref<800x2048xf32, #tpu.memory_space<hbm>>) dst(%arg6 : memref<16x2048xf32, #tpu.memory_space<vmem>>)
    %add3A_22 = arith.constant 0 : i32
    %add3A_23 = arith.addi %mul3A_2, %add3A_22 : i32
    %dma_start3A_24 = arith.constant 0 : i32
    %dma_start3A_25 = tpu.memref_slice %arg4[%add3A_23, %dma_start3A_24] : memref<5120x2048xf32, #tpu.memory_space<hbm>> -> memref<16x2048xf32, #tpu.memory_space<hbm>>
    %dma_start3A_26 = arith.constant 0 : i32
    %dma_start3A_27 = tpu.memref_slice %arg4[%add3A_23, %dma_start3A_26] : memref<5120x2048xf32, #tpu.memory_space<hbm>> -> memref<16x2048xf32, #tpu.memory_space<hbm>>
    tpu.enqueue_dma source(%arg6 : memref<16x2048xf32, #tpu.memory_space<vmem>>) target(%dma_start3A_27 : memref<16x2048xf32, #tpu.memory_space<hbm>>) target_semaphore(%arg10 : memref<!tpu.dma_semaphore, #tpu.memory_space<semaphore_mem>>)
    %dma_wait3A_28 = arith.constant 0 : i32
    %dma_wait3A_29 = tpu.memref_slice %arg4[%add3A_23, %dma_wait3A_28] : memref<5120x2048xf32, #tpu.memory_space<hbm>> -> memref<16x2048xf32, #tpu.memory_space<hbm>>
    %dma_wait3A_30 = arith.constant 0 : i32
    %dma_wait3A_31 = tpu.memref_slice %arg4[%add3A_23, %dma_wait3A_30] : memref<5120x2048xf32, #tpu.memory_space<hbm>> -> memref<16x2048xf32, #tpu.memory_space<hbm>>
    tpu.wait_dma2 semaphore(%arg10 : memref<!tpu.dma_semaphore, #tpu.memory_space<semaphore_mem>>) src(%arg6 : memref<16x2048xf32, #tpu.memory_space<vmem>>) dst(%dma_wait3A_31 : memref<16x2048xf32, #tpu.memory_space<hbm>>)
    %dma_start3A_32 = arith.constant 2 : i32
    %dma_start3A_33 = arith.constant 0 : i32
    %dma_start3A_34 = tpu.memref_slice %arg5[%dma_start3A_32, %dma_start3A_33] : memref<10x16xi32, #tpu.memory_space<vmem>> -> memref<1x16xi32, #tpu.memory_space<vmem>>
    %dma_start3A_35 = tpu.memref_squeeze %dma_start3A_34 : memref<1x16xi32, #tpu.memory_space<vmem>> -> memref<16xi32, #tpu.memory_space<vmem>>
    %dma_start3A_36 = arith.constant 0 : i32
    %dma_start3A_37 = arith.constant 0 : i32
    %dma_start3A_38 = tpu.memref_slice %arg2[%dma_start3A_36, %dma_start3A_37] : memref<800x2048xf32, #tpu.memory_space<hbm>> -> memref<800x2048xf32, #tpu.memory_space<hbm>>
    tpu.enqueue_indirect_dma source(%dma_start3A_38 : memref<800x2048xf32, #tpu.memory_space<hbm>>) target(%arg6 : memref<16x2048xf32, #tpu.memory_space<vmem>>) offsets(%dma_start3A_35 : memref<16xi32, #tpu.memory_space<vmem>>) semaphore(%arg8 : memref<!tpu.dma_semaphore, #tpu.memory_space<semaphore_mem>>)
    %dma_wait3A_39 = arith.constant 1 : i32
    %dma_wait3A_40 = arith.constant 0 : i32
    %dma_wait3A_41 = tpu.memref_slice %arg5[%dma_wait3A_39, %dma_wait3A_40] : memref<10x16xi32, #tpu.memory_space<vmem>> -> memref<1x16xi32, #tpu.memory_space<vmem>>
    %dma_wait3A_42 = tpu.memref_squeeze %dma_wait3A_41 : memref<1x16xi32, #tpu.memory_space<vmem>> -> memref<16xi32, #tpu.memory_space<vmem>>
    %dma_wait3A_43 = arith.constant 0 : i32
    %dma_wait3A_44 = arith.constant 0 : i32
    %dma_wait3A_45 = tpu.memref_slice %arg2[%dma_wait3A_43, %dma_wait3A_44] : memref<800x2048xf32, #tpu.memory_space<hbm>> -> memref<800x2048xf32, #tpu.memory_space<hbm>>
    tpu.wait_indirect_dma semaphore(%arg9 : memref<!tpu.dma_semaphore, #tpu.memory_space<semaphore_mem>>) src(%dma_wait3A_45 : memref<800x2048xf32, #tpu.memory_space<hbm>>) dst(%arg7 : memref<16x2048xf32, #tpu.memory_space<vmem>>)
    %add3A_46 = arith.constant 16 : i32
    %add3A_47 = arith.addi %mul3A_2, %add3A_46 : i32
    %dma_start3A_48 = arith.constant 0 : i32
    %dma_start3A_49 = tpu.memref_slice %arg4[%add3A_47, %dma_start3A_48] : memref<5120x2048xf32, #tpu.memory_space<hbm>> -> memref<16x2048xf32, #tpu.memory_space<hbm>>
    %dma_start3A_50 = arith.constant 0 : i32
    %dma_start3A_51 = tpu.memref_slice %arg4[%add3A_47, %dma_start3A_50] : memref<5120x2048xf32, #tpu.memory_space<hbm>> -> memref<16x2048xf32, #tpu.memory_space<hbm>>
    tpu.enqueue_dma source(%arg7 : memref<16x2048xf32, #tpu.memory_space<vmem>>) target(%dma_start3A_51 : memref<16x2048xf32, #tpu.memory_space<hbm>>) target_semaphore(%arg11 : memref<!tpu.dma_semaphore, #tpu.memory_space<semaphore_mem>>)
    %dma_wait3A_52 = arith.constant 0 : i32
    %dma_wait3A_53 = tpu.memref_slice %arg4[%add3A_47, %dma_wait3A_52] : memref<5120x2048xf32, #tpu.memory_space<hbm>> -> memref<16x2048xf32, #tpu.memory_space<hbm>>
    %dma_wait3A_54 = arith.constant 0 : i32
    %dma_wait3A_55 = tpu.memref_slice %arg4[%add3A_47, %dma_wait3A_54] : memref<5120x2048xf32, #tpu.memory_space<hbm>> -> memref<16x2048xf32, #tpu.memory_space<hbm>>
    tpu.wait_dma2 semaphore(%arg11 : memref<!tpu.dma_semaphore, #tpu.memory_space<semaphore_mem>>) src(%arg7 : memref<16x2048xf32, #tpu.memory_space<vmem>>) dst(%dma_wait3A_55 : memref<16x2048xf32, #tpu.memory_space<hbm>>)
    %dma_start3A_56 = arith.constant 3 : i32
    %dma_start3A_57 = arith.constant 0 : i32
    %dma_start3A_58 = tpu.memref_slice %arg5[%dma_start3A_56, %dma_start3A_57] : memref<10x16xi32, #tpu.memory_space<vmem>> -> memref<1x16xi32, #tpu.memory_space<vmem>>
    %dma_start3A_59 = tpu.memref_squeeze %dma_start3A_58 : memref<1x16xi32, #tpu.memory_space<vmem>> -> memref<16xi32, #tpu.memory_space<vmem>>
    %dma_start3A_60 = arith.constant 0 : i32
    %dma_start3A_61 = arith.constant 0 : i32
    %dma_start3A_62 = tpu.memref_slice %arg2[%dma_start3A_60, %dma_start3A_61] : memref<800x2048xf32, #tpu.memory_space<hbm>> -> memref<800x2048xf32, #tpu.memory_space<hbm>>
    tpu.enqueue_indirect_dma source(%dma_start3A_62 : memref<800x2048xf32, #tpu.memory_space<hbm>>) target(%arg7 : memref<16x2048xf32, #tpu.memory_space<vmem>>) offsets(%dma_start3A_59 : memref<16xi32, #tpu.memory_space<vmem>>) semaphore(%arg9 : memref<!tpu.dma_semaphore, #tpu.memory_space<semaphore_mem>>)
    %dma_wait3A_63 = arith.constant 2 : i32
    %dma_wait3A_64 = arith.constant 0 : i32
    %dma_wait3A_65 = tpu.memref_slice %arg5[%dma_wait3A_63, %dma_wait3A_64] : memref<10x16xi32, #tpu.memory_space<vmem>> -> memref<1x16xi32, #tpu.memory_space<vmem>>
    %dma_wait3A_66 = tpu.memref_squeeze %dma_wait3A_65 : memref<1x16xi32, #tpu.memory_space<vmem>> -> memref<16xi32, #tpu.memory_space<vmem>>
    %dma_wait3A_67 = arith.constant 0 : i32
    %dma_wait3A_68 = arith.constant 0 : i32
    %dma_wait3A_69 = tpu.memref_slice %arg2[%dma_wait3A_67, %dma_wait3A_68] : memref<800x2048xf32, #tpu.memory_space<hbm>> -> memref<800x2048xf32, #tpu.memory_space<hbm>>
    tpu.wait_indirect_dma semaphore(%arg8 : memref<!tpu.dma_semaphore, #tpu.memory_space<semaphore_mem>>) src(%dma_wait3A_69 : memref<800x2048xf32, #tpu.memory_space<hbm>>) dst(%arg6 : memref<16x2048xf32, #tpu.memory_space<vmem>>)
    %add3A_70 = arith.constant 32 : i32
    %add3A_71 = arith.addi %mul3A_2, %add3A_70 : i32
    %dma_start3A_72 = arith.constant 0 : i32
    %dma_start3A_73 = tpu.memref_slice %arg4[%add3A_71, %dma_start3A_72] : memref<5120x2048xf32, #tpu.memory_space<hbm>> -> memref<16x2048xf32, #tpu.memory_space<hbm>>
    %dma_start3A_74 = arith.constant 0 : i32
    %dma_start3A_75 = tpu.memref_slice %arg4[%add3A_71, %dma_start3A_74] : memref<5120x2048xf32, #tpu.memory_space<hbm>> -> memref<16x2048xf32, #tpu.memory_space<hbm>>
    tpu.enqueue_dma source(%arg6 : memref<16x2048xf32, #tpu.memory_space<vmem>>) target(%dma_start3A_75 : memref<16x2048xf32, #tpu.memory_space<hbm>>) target_semaphore(%arg10 : memref<!tpu.dma_semaphore, #tpu.memory_space<semaphore_mem>>)
    %dma_wait3A_76 = arith.constant 0 : i32
    %dma_wait3A_77 = tpu.memref_slice %arg4[%add3A_71, %dma_wait3A_76] : memref<5120x2048xf32, #tpu.memory_space<hbm>> -> memref<16x2048xf32, #tpu.memory_space<hbm>>
    %dma_wait3A_78 = arith.constant 0 : i32
    %dma_wait3A_79 = tpu.memref_slice %arg4[%add3A_71, %dma_wait3A_78] : memref<5120x2048xf32, #tpu.memory_space<hbm>> -> memref<16x2048xf32, #tpu.memory_space<hbm>>
    tpu.wait_dma2 semaphore(%arg10 : memref<!tpu.dma_semaphore, #tpu.memory_space<semaphore_mem>>) src(%arg6 : memref<16x2048xf32, #tpu.memory_space<vmem>>) dst(%dma_wait3A_79 : memref<16x2048xf32, #tpu.memory_space<hbm>>)
    %dma_start3A_80 = arith.constant 4 : i32
    %dma_start3A_81 = arith.constant 0 : i32
    %dma_start3A_82 = tpu.memref_slice %arg5[%dma_start3A_80, %dma_start3A_81] : memref<10x16xi32, #tpu.memory_space<vmem>> -> memref<1x16xi32, #tpu.memory_space<vmem>>
    %dma_start3A_83 = tpu.memref_squeeze %dma_start3A_82 : memref<1x16xi32, #tpu.memory_space<vmem>> -> memref<16xi32, #tpu.memory_space<vmem>>
    %dma_start3A_84 = arith.constant 0 : i32
    %dma_start3A_85 = arith.constant 0 : i32
    %dma_start3A_86 = tpu.memref_slice %arg2[%dma_start3A_84, %dma_start3A_85] : memref<800x2048xf32, #tpu.memory_space<hbm>> -> memref<800x2048xf32, #tpu.memory_space<hbm>>
    tpu.enqueue_indirect_dma source(%dma_start3A_86 : memref<800x2048xf32, #tpu.memory_space<hbm>>) target(%arg6 : memref<16x2048xf32, #tpu.memory_space<vmem>>) offsets(%dma_start3A_83 : memref<16xi32, #tpu.memory_space<vmem>>) semaphore(%arg8 : memref<!tpu.dma_semaphore, #tpu.memory_space<semaphore_mem>>)
    %dma_wait3A_87 = arith.constant 3 : i32
    %dma_wait3A_88 = arith.constant 0 : i32
    %dma_wait3A_89 = tpu.memref_slice %arg5[%dma_wait3A_87, %dma_wait3A_88] : memref<10x16xi32, #tpu.memory_space<vmem>> -> memref<1x16xi32, #tpu.memory_space<vmem>>
    %dma_wait3A_90 = tpu.memref_squeeze %dma_wait3A_89 : memref<1x16xi32, #tpu.memory_space<vmem>> -> memref<16xi32, #tpu.memory_space<vmem>>
    %dma_wait3A_91 = arith.constant 0 : i32
    %dma_wait3A_92 = arith.constant 0 : i32
    %dma_wait3A_93 = tpu.memref_slice %arg2[%dma_wait3A_91, %dma_wait3A_92] : memref<800x2048xf32, #tpu.memory_space<hbm>> -> memref<800x2048xf32, #tpu.memory_space<hbm>>
    tpu.wait_indirect_dma semaphore(%arg9 : memref<!tpu.dma_semaphore, #tpu.memory_space<semaphore_mem>>) src(%dma_wait3A_93 : memref<800x2048xf32, #tpu.memory_space<hbm>>) dst(%arg7 : memref<16x2048xf32, #tpu.memory_space<vmem>>)
    %add3A_94 = arith.constant 48 : i32
    %add3A_95 = arith.addi %mul3A_2, %add3A_94 : i32
    %dma_start3A_96 = arith.constant 0 : i32
    %dma_start3A_97 = tpu.memref_slice %arg4[%add3A_95, %dma_start3A_96] : memref<5120x2048xf32, #tpu.memory_space<hbm>> -> memref<16x2048xf32, #tpu.memory_space<hbm>>
    %dma_start3A_98 = arith.constant 0 : i32
    %dma_start3A_99 = tpu.memref_slice %arg4[%add3A_95, %dma_start3A_98] : memref<5120x2048xf32, #tpu.memory_space<hbm>> -> memref<16x2048xf32, #tpu.memory_space<hbm>>
    tpu.enqueue_dma source(%arg7 : memref<16x2048xf32, #tpu.memory_space<vmem>>) target(%dma_start3A_99 : memref<16x2048xf32, #tpu.memory_space<hbm>>) target_semaphore(%arg11 : memref<!tpu.dma_semaphore, #tpu.memory_space<semaphore_mem>>)
    %dma_wait3A_100 = arith.constant 0 : i32
    %dma_wait3A_101 = tpu.memref_slice %arg4[%add3A_95, %dma_wait3A_100] : memref<5120x2048xf32, #tpu.memory_space<hbm>> -> memref<16x2048xf32, #tpu.memory_space<hbm>>
    %dma_wait3A_102 = arith.constant 0 : i32
    %dma_wait3A_103 = tpu.memref_slice %arg4[%add3A_95, %dma_wait3A_102] : memref<5120x2048xf32, #tpu.memory_space<hbm>> -> memref<16x2048xf32, #tpu.memory_space<hbm>>
    tpu.wait_dma2 semaphore(%arg11 : memref<!tpu.dma_semaphore, #tpu.memory_space<semaphore_mem>>) src(%arg7 : memref<16x2048xf32, #tpu.memory_space<vmem>>) dst(%dma_wait3A_103 : memref<16x2048xf32, #tpu.memory_space<hbm>>)
    %dma_start3A_104 = arith.constant 5 : i32
    %dma_start3A_105 = arith.constant 0 : i32
    %dma_start3A_106 = tpu.memref_slice %arg5[%dma_start3A_104, %dma_start3A_105] : memref<10x16xi32, #tpu.memory_space<vmem>> -> memref<1x16xi32, #tpu.memory_space<vmem>>
    %dma_start3A_107 = tpu.memref_squeeze %dma_start3A_106 : memref<1x16xi32, #tpu.memory_space<vmem>> -> memref<16xi32, #tpu.memory_space<vmem>>
    %dma_start3A_108 = arith.constant 0 : i32
    %dma_start3A_109 = arith.constant 0 : i32
    %dma_start3A_110 = tpu.memref_slice %arg2[%dma_start3A_108, %dma_start3A_109] : memref<800x2048xf32, #tpu.memory_space<hbm>> -> memref<800x2048xf32, #tpu.memory_space<hbm>>
    tpu.enqueue_indirect_dma source(%dma_start3A_110 : memref<800x2048xf32, #tpu.memory_space<hbm>>) target(%arg7 : memref<16x2048xf32, #tpu.memory_space<vmem>>) offsets(%dma_start3A_107 : memref<16xi32, #tpu.memory_space<vmem>>) semaphore(%arg9 : memref<!tpu.dma_semaphore, #tpu.memory_space<semaphore_mem>>)
    %dma_wait3A_111 = arith.constant 4 : i32
    %dma_wait3A_112 = arith.constant 0 : i32
    %dma_wait3A_113 = tpu.memref_slice %arg5[%dma_wait3A_111, %dma_wait3A_112] : memref<10x16xi32, #tpu.memory_space<vmem>> -> memref<1x16xi32, #tpu.memory_space<vmem>>
    %dma_wait3A_114 = tpu.memref_squeeze %dma_wait3A_113 : memref<1x16xi32, #tpu.memory_space<vmem>> -> memref<16xi32, #tpu.memory_space<vmem>>
    %dma_wait3A_115 = arith.constant 0 : i32
    %dma_wait3A_116 = arith.constant 0 : i32
    %dma_wait3A_117 = tpu.memref_slice %arg2[%dma_wait3A_115, %dma_wait3A_116] : memref<800x2048xf32, #tpu.memory_space<hbm>> -> memref<800x2048xf32, #tpu.memory_space<hbm>>
    tpu.wait_indirect_dma semaphore(%arg8 : memref<!tpu.dma_semaphore, #tpu.memory_space<semaphore_mem>>) src(%dma_wait3A_117 : memref<800x2048xf32, #tpu.memory_space<hbm>>) dst(%arg6 : memref<16x2048xf32, #tpu.memory_space<vmem>>)
    %add3A_118 = arith.constant 64 : i32
    %add3A_119 = arith.addi %mul3A_2, %add3A_118 : i32
    %dma_start3A_120 = arith.constant 0 : i32
    %dma_start3A_121 = tpu.memref_slice %arg4[%add3A_119, %dma_start3A_120] : memref<5120x2048xf32, #tpu.memory_space<hbm>> -> memref<16x2048xf32, #tpu.memory_space<hbm>>
    %dma_start3A_122 = arith.constant 0 : i32
    %dma_start3A_123 = tpu.memref_slice %arg4[%add3A_119, %dma_start3A_122] : memref<5120x2048xf32, #tpu.memory_space<hbm>> -> memref<16x2048xf32, #tpu.memory_space<hbm>>
    tpu.enqueue_dma source(%arg6 : memref<16x2048xf32, #tpu.memory_space<vmem>>) target(%dma_start3A_123 : memref<16x2048xf32, #tpu.memory_space<hbm>>) target_semaphore(%arg10 : memref<!tpu.dma_semaphore, #tpu.memory_space<semaphore_mem>>)
    %dma_wait3A_124 = arith.constant 0 : i32
    %dma_wait3A_125 = tpu.memref_slice %arg4[%add3A_119, %dma_wait3A_124] : memref<5120x2048xf32, #tpu.memory_space<hbm>> -> memref<16x2048xf32, #tpu.memory_space<hbm>>
    %dma_wait3A_126 = arith.constant 0 : i32
    %dma_wait3A_127 = tpu.memref_slice %arg4[%add3A_119, %dma_wait3A_126] : memref<5120x2048xf32, #tpu.memory_space<hbm>> -> memref<16x2048xf32, #tpu.memory_space<hbm>>
    tpu.wait_dma2 semaphore(%arg10 : memref<!tpu.dma_semaphore, #tpu.memory_space<semaphore_mem>>) src(%arg6 : memref<16x2048xf32, #tpu.memory_space<vmem>>) dst(%dma_wait3A_127 : memref<16x2048xf32, #tpu.memory_space<hbm>>)
    %dma_start3A_128 = arith.constant 6 : i32
    %dma_start3A_129 = arith.constant 0 : i32
    %dma_start3A_130 = tpu.memref_slice %arg5[%dma_start3A_128, %dma_start3A_129] : memref<10x16xi32, #tpu.memory_space<vmem>> -> memref<1x16xi32, #tpu.memory_space<vmem>>
    %dma_start3A_131 = tpu.memref_squeeze %dma_start3A_130 : memref<1x16xi32, #tpu.memory_space<vmem>> -> memref<16xi32, #tpu.memory_space<vmem>>
    %dma_start3A_132 = arith.constant 0 : i32
    %dma_start3A_133 = arith.constant 0 : i32
    %dma_start3A_134 = tpu.memref_slice %arg2[%dma_start3A_132, %dma_start3A_133] : memref<800x2048xf32, #tpu.memory_space<hbm>> -> memref<800x2048xf32, #tpu.memory_space<hbm>>
    tpu.enqueue_indirect_dma source(%dma_start3A_134 : memref<800x2048xf32, #tpu.memory_space<hbm>>) target(%arg6 : memref<16x2048xf32, #tpu.memory_space<vmem>>) offsets(%dma_start3A_131 : memref<16xi32, #tpu.memory_space<vmem>>) semaphore(%arg8 : memref<!tpu.dma_semaphore, #tpu.memory_space<semaphore_mem>>)
    %dma_wait3A_135 = arith.constant 5 : i32
    %dma_wait3A_136 = arith.constant 0 : i32
    %dma_wait3A_137 = tpu.memref_slice %arg5[%dma_wait3A_135, %dma_wait3A_136] : memref<10x16xi32, #tpu.memory_space<vmem>> -> memref<1x16xi32, #tpu.memory_space<vmem>>
    %dma_wait3A_138 = tpu.memref_squeeze %dma_wait3A_137 : memref<1x16xi32, #tpu.memory_space<vmem>> -> memref<16xi32, #tpu.memory_space<vmem>>
    %dma_wait3A_139 = arith.constant 0 : i32
    %dma_wait3A_140 = arith.constant 0 : i32
    %dma_wait3A_141 = tpu.memref_slice %arg2[%dma_wait3A_139, %dma_wait3A_140] : memref<800x2048xf32, #tpu.memory_space<hbm>> -> memref<800x2048xf32, #tpu.memory_space<hbm>>
    tpu.wait_indirect_dma semaphore(%arg9 : memref<!tpu.dma_semaphore, #tpu.memory_space<semaphore_mem>>) src(%dma_wait3A_141 : memref<800x2048xf32, #tpu.memory_space<hbm>>) dst(%arg7 : memref<16x2048xf32, #tpu.memory_space<vmem>>)
    %add3A_142 = arith.constant 80 : i32
    %add3A_143 = arith.addi %mul3A_2, %add3A_142 : i32
    %dma_start3A_144 = arith.constant 0 : i32
    %dma_start3A_145 = tpu.memref_slice %arg4[%add3A_143, %dma_start3A_144] : memref<5120x2048xf32, #tpu.memory_space<hbm>> -> memref<16x2048xf32, #tpu.memory_space<hbm>>
    %dma_start3A_146 = arith.constant 0 : i32
    %dma_start3A_147 = tpu.memref_slice %arg4[%add3A_143, %dma_start3A_146] : memref<5120x2048xf32, #tpu.memory_space<hbm>> -> memref<16x2048xf32, #tpu.memory_space<hbm>>
    tpu.enqueue_dma source(%arg7 : memref<16x2048xf32, #tpu.memory_space<vmem>>) target(%dma_start3A_147 : memref<16x2048xf32, #tpu.memory_space<hbm>>) target_semaphore(%arg11 : memref<!tpu.dma_semaphore, #tpu.memory_space<semaphore_mem>>)
    %dma_wait3A_148 = arith.constant 0 : i32
    %dma_wait3A_149 = tpu.memref_slice %arg4[%add3A_143, %dma_wait3A_148] : memref<5120x2048xf32, #tpu.memory_space<hbm>> -> memref<16x2048xf32, #tpu.memory_space<hbm>>
    %dma_wait3A_150 = arith.constant 0 : i32
    %dma_wait3A_151 = tpu.memref_slice %arg4[%add3A_143, %dma_wait3A_150] : memref<5120x2048xf32, #tpu.memory_space<hbm>> -> memref<16x2048xf32, #tpu.memory_space<hbm>>
    tpu.wait_dma2 semaphore(%arg11 : memref<!tpu.dma_semaphore, #tpu.memory_space<semaphore_mem>>) src(%arg7 : memref<16x2048xf32, #tpu.memory_space<vmem>>) dst(%dma_wait3A_151 : memref<16x2048xf32, #tpu.memory_space<hbm>>)
    %dma_start3A_152 = arith.constant 7 : i32
    %dma_start3A_153 = arith.constant 0 : i32
    %dma_start3A_154 = tpu.memref_slice %arg5[%dma_start3A_152, %dma_start3A_153] : memref<10x16xi32, #tpu.memory_space<vmem>> -> memref<1x16xi32, #tpu.memory_space<vmem>>
    %dma_start3A_155 = tpu.memref_squeeze %dma_start3A_154 : memref<1x16xi32, #tpu.memory_space<vmem>> -> memref<16xi32, #tpu.memory_space<vmem>>
    %dma_start3A_156 = arith.constant 0 : i32
    %dma_start3A_157 = arith.constant 0 : i32
    %dma_start3A_158 = tpu.memref_slice %arg2[%dma_start3A_156, %dma_start3A_157] : memref<800x2048xf32, #tpu.memory_space<hbm>> -> memref<800x2048xf32, #tpu.memory_space<hbm>>
    tpu.enqueue_indirect_dma source(%dma_start3A_158 : memref<800x2048xf32, #tpu.memory_space<hbm>>) target(%arg7 : memref<16x2048xf32, #tpu.memory_space<vmem>>) offsets(%dma_start3A_155 : memref<16xi32, #tpu.memory_space<vmem>>) semaphore(%arg9 : memref<!tpu.dma_semaphore, #tpu.memory_space<semaphore_mem>>)
    %dma_wait3A_159 = arith.constant 6 : i32
    %dma_wait3A_160 = arith.constant 0 : i32
    %dma_wait3A_161 = tpu.memref_slice %arg5[%dma_wait3A_159, %dma_wait3A_160] : memref<10x16xi32, #tpu.memory_space<vmem>> -> memref<1x16xi32, #tpu.memory_space<vmem>>
    %dma_wait3A_162 = tpu.memref_squeeze %dma_wait3A_161 : memref<1x16xi32, #tpu.memory_space<vmem>> -> memref<16xi32, #tpu.memory_space<vmem>>
    %dma_wait3A_163 = arith.constant 0 : i32
    %dma_wait3A_164 = arith.constant 0 : i32
    %dma_wait3A_165 = tpu.memref_slice %arg2[%dma_wait3A_163, %dma_wait3A_164] : memref<800x2048xf32, #tpu.memory_space<hbm>> -> memref<800x2048xf32, #tpu.memory_space<hbm>>
    tpu.wait_indirect_dma semaphore(%arg8 : memref<!tpu.dma_semaphore, #tpu.memory_space<semaphore_mem>>) src(%dma_wait3A_165 : memref<800x2048xf32, #tpu.memory_space<hbm>>) dst(%arg6 : memref<16x2048xf32, #tpu.memory_space<vmem>>)
    %add3A_166 = arith.constant 96 : i32
    %add3A_167 = arith.addi %mul3A_2, %add3A_166 : i32
    %dma_start3A_168 = arith.constant 0 : i32
    %dma_start3A_169 = tpu.memref_slice %arg4[%add3A_167, %dma_start3A_168] : memref<5120x2048xf32, #tpu.memory_space<hbm>> -> memref<16x2048xf32, #tpu.memory_space<hbm>>
    %dma_start3A_170 = arith.constant 0 : i32
    %dma_start3A_171 = tpu.memref_slice %arg4[%add3A_167, %dma_start3A_170] : memref<5120x2048xf32, #tpu.memory_space<hbm>> -> memref<16x2048xf32, #tpu.memory_space<hbm>>
    tpu.enqueue_dma source(%arg6 : memref<16x2048xf32, #tpu.memory_space<vmem>>) target(%dma_start3A_171 : memref<16x2048xf32, #tpu.memory_space<hbm>>) target_semaphore(%arg10 : memref<!tpu.dma_semaphore, #tpu.memory_space<semaphore_mem>>)
    %dma_wait3A_172 = arith.constant 0 : i32
    %dma_wait3A_173 = tpu.memref_slice %arg4[%add3A_167, %dma_wait3A_172] : memref<5120x2048xf32, #tpu.memory_space<hbm>> -> memref<16x2048xf32, #tpu.memory_space<hbm>>
    %dma_wait3A_174 = arith.constant 0 : i32
    %dma_wait3A_175 = tpu.memref_slice %arg4[%add3A_167, %dma_wait3A_174] : memref<5120x2048xf32, #tpu.memory_space<hbm>> -> memref<16x2048xf32, #tpu.memory_space<hbm>>
    tpu.wait_dma2 semaphore(%arg10 : memref<!tpu.dma_semaphore, #tpu.memory_space<semaphore_mem>>) src(%arg6 : memref<16x2048xf32, #tpu.memory_space<vmem>>) dst(%dma_wait3A_175 : memref<16x2048xf32, #tpu.memory_space<hbm>>)
    %dma_start3A_176 = arith.constant 8 : i32
    %dma_start3A_177 = arith.constant 0 : i32
    %dma_start3A_178 = tpu.memref_slice %arg5[%dma_start3A_176, %dma_start3A_177] : memref<10x16xi32, #tpu.memory_space<vmem>> -> memref<1x16xi32, #tpu.memory_space<vmem>>
    %dma_start3A_179 = tpu.memref_squeeze %dma_start3A_178 : memref<1x16xi32, #tpu.memory_space<vmem>> -> memref<16xi32, #tpu.memory_space<vmem>>
    %dma_start3A_180 = arith.constant 0 : i32
    %dma_start3A_181 = arith.constant 0 : i32
    %dma_start3A_182 = tpu.memref_slice %arg2[%dma_start3A_180, %dma_start3A_181] : memref<800x2048xf32, #tpu.memory_space<hbm>> -> memref<800x2048xf32, #tpu.memory_space<hbm>>
    tpu.enqueue_indirect_dma source(%dma_start3A_182 : memref<800x2048xf32, #tpu.memory_space<hbm>>) target(%arg6 : memref<16x2048xf32, #tpu.memory_space<vmem>>) offsets(%dma_start3A_179 : memref<16xi32, #tpu.memory_space<vmem>>) semaphore(%arg8 : memref<!tpu.dma_semaphore, #tpu.memory_space<semaphore_mem>>)
    %dma_wait3A_183 = arith.constant 7 : i32
    %dma_wait3A_184 = arith.constant 0 : i32
    %dma_wait3A_185 = tpu.memref_slice %arg5[%dma_wait3A_183, %dma_wait3A_184] : memref<10x16xi32, #tpu.memory_space<vmem>> -> memref<1x16xi32, #tpu.memory_space<vmem>>
    %dma_wait3A_186 = tpu.memref_squeeze %dma_wait3A_185 : memref<1x16xi32, #tpu.memory_space<vmem>> -> memref<16xi32, #tpu.memory_space<vmem>>
    %dma_wait3A_187 = arith.constant 0 : i32
    %dma_wait3A_188 = arith.constant 0 : i32
    %dma_wait3A_189 = tpu.memref_slice %arg2[%dma_wait3A_187, %dma_wait3A_188] : memref<800x2048xf32, #tpu.memory_space<hbm>> -> memref<800x2048xf32, #tpu.memory_space<hbm>>
    tpu.wait_indirect_dma semaphore(%arg9 : memref<!tpu.dma_semaphore, #tpu.memory_space<semaphore_mem>>) src(%dma_wait3A_189 : memref<800x2048xf32, #tpu.memory_space<hbm>>) dst(%arg7 : memref<16x2048xf32, #tpu.memory_space<vmem>>)
    %add3A_190 = arith.constant 112 : i32
    %add3A_191 = arith.addi %mul3A_2, %add3A_190 : i32
    %dma_start3A_192 = arith.constant 0 : i32
    %dma_start3A_193 = tpu.memref_slice %arg4[%add3A_191, %dma_start3A_192] : memref<5120x2048xf32, #tpu.memory_space<hbm>> -> memref<16x2048xf32, #tpu.memory_space<hbm>>
    %dma_start3A_194 = arith.constant 0 : i32
    %dma_start3A_195 = tpu.memref_slice %arg4[%add3A_191, %dma_start3A_194] : memref<5120x2048xf32, #tpu.memory_space<hbm>> -> memref<16x2048xf32, #tpu.memory_space<hbm>>
    tpu.enqueue_dma source(%arg7 : memref<16x2048xf32, #tpu.memory_space<vmem>>) target(%dma_start3A_195 : memref<16x2048xf32, #tpu.memory_space<hbm>>) target_semaphore(%arg11 : memref<!tpu.dma_semaphore, #tpu.memory_space<semaphore_mem>>)
    %dma_wait3A_196 = arith.constant 0 : i32
    %dma_wait3A_197 = tpu.memref_slice %arg4[%add3A_191, %dma_wait3A_196] : memref<5120x2048xf32, #tpu.memory_space<hbm>> -> memref<16x2048xf32, #tpu.memory_space<hbm>>
    %dma_wait3A_198 = arith.constant 0 : i32
    %dma_wait3A_199 = tpu.memref_slice %arg4[%add3A_191, %dma_wait3A_198] : memref<5120x2048xf32, #tpu.memory_space<hbm>> -> memref<16x2048xf32, #tpu.memory_space<hbm>>
    tpu.wait_dma2 semaphore(%arg11 : memref<!tpu.dma_semaphore, #tpu.memory_space<semaphore_mem>>) src(%arg7 : memref<16x2048xf32, #tpu.memory_space<vmem>>) dst(%dma_wait3A_199 : memref<16x2048xf32, #tpu.memory_space<hbm>>)
    %dma_start3A_200 = arith.constant 9 : i32
    %dma_start3A_201 = arith.constant 0 : i32
    %dma_start3A_202 = tpu.memref_slice %arg5[%dma_start3A_200, %dma_start3A_201] : memref<10x16xi32, #tpu.memory_space<vmem>> -> memref<1x16xi32, #tpu.memory_space<vmem>>
    %dma_start3A_203 = tpu.memref_squeeze %dma_start3A_202 : memref<1x16xi32, #tpu.memory_space<vmem>> -> memref<16xi32, #tpu.memory_space<vmem>>
    %dma_start3A_204 = arith.constant 0 : i32
    %dma_start3A_205 = arith.constant 0 : i32
    %dma_start3A_206 = tpu.memref_slice %arg2[%dma_start3A_204, %dma_start3A_205] : memref<800x2048xf32, #tpu.memory_space<hbm>> -> memref<800x2048xf32, #tpu.memory_space<hbm>>
    tpu.enqueue_indirect_dma source(%dma_start3A_206 : memref<800x2048xf32, #tpu.memory_space<hbm>>) target(%arg7 : memref<16x2048xf32, #tpu.memory_space<vmem>>) offsets(%dma_start3A_203 : memref<16xi32, #tpu.memory_space<vmem>>) semaphore(%arg9 : memref<!tpu.dma_semaphore, #tpu.memory_space<semaphore_mem>>)
    %dma_wait3A_207 = arith.constant 8 : i32
    %dma_wait3A_208 = arith.constant 0 : i32
    %dma_wait3A_209 = tpu.memref_slice %arg5[%dma_wait3A_207, %dma_wait3A_208] : memref<10x16xi32, #tpu.memory_space<vmem>> -> memref<1x16xi32, #tpu.memory_space<vmem>>
    %dma_wait3A_210 = tpu.memref_squeeze %dma_wait3A_209 : memref<1x16xi32, #tpu.memory_space<vmem>> -> memref<16xi32, #tpu.memory_space<vmem>>
    %dma_wait3A_211 = arith.constant 0 : i32
    %dma_wait3A_212 = arith.constant 0 : i32
    %dma_wait3A_213 = tpu.memref_slice %arg2[%dma_wait3A_211, %dma_wait3A_212] : memref<800x2048xf32, #tpu.memory_space<hbm>> -> memref<800x2048xf32, #tpu.memory_space<hbm>>
    tpu.wait_indirect_dma semaphore(%arg8 : memref<!tpu.dma_semaphore, #tpu.memory_space<semaphore_mem>>) src(%dma_wait3A_213 : memref<800x2048xf32, #tpu.memory_space<hbm>>) dst(%arg6 : memref<16x2048xf32, #tpu.memory_space<vmem>>)
    %add3A_214 = arith.constant 128 : i32
    %add3A_215 = arith.addi %mul3A_2, %add3A_214 : i32
    %dma_start3A_216 = arith.constant 0 : i32
    %dma_start3A_217 = tpu.memref_slice %arg4[%add3A_215, %dma_start3A_216] : memref<5120x2048xf32, #tpu.memory_space<hbm>> -> memref<16x2048xf32, #tpu.memory_space<hbm>>
    %dma_start3A_218 = arith.constant 0 : i32
    %dma_start3A_219 = tpu.memref_slice %arg4[%add3A_215, %dma_start3A_218] : memref<5120x2048xf32, #tpu.memory_space<hbm>> -> memref<16x2048xf32, #tpu.memory_space<hbm>>
    tpu.enqueue_dma source(%arg6 : memref<16x2048xf32, #tpu.memory_space<vmem>>) target(%dma_start3A_219 : memref<16x2048xf32, #tpu.memory_space<hbm>>) target_semaphore(%arg10 : memref<!tpu.dma_semaphore, #tpu.memory_space<semaphore_mem>>)
    %dma_wait3A_220 = arith.constant 9 : i32
    %dma_wait3A_221 = arith.constant 0 : i32
    %dma_wait3A_222 = tpu.memref_slice %arg5[%dma_wait3A_220, %dma_wait3A_221] : memref<10x16xi32, #tpu.memory_space<vmem>> -> memref<1x16xi32, #tpu.memory_space<vmem>>
    %dma_wait3A_223 = tpu.memref_squeeze %dma_wait3A_222 : memref<1x16xi32, #tpu.memory_space<vmem>> -> memref<16xi32, #tpu.memory_space<vmem>>
    %dma_wait3A_224 = arith.constant 0 : i32
    %dma_wait3A_225 = arith.constant 0 : i32
    %dma_wait3A_226 = tpu.memref_slice %arg2[%dma_wait3A_224, %dma_wait3A_225] : memref<800x2048xf32, #tpu.memory_space<hbm>> -> memref<800x2048xf32, #tpu.memory_space<hbm>>
    tpu.wait_indirect_dma semaphore(%arg9 : memref<!tpu.dma_semaphore, #tpu.memory_space<semaphore_mem>>) src(%dma_wait3A_226 : memref<800x2048xf32, #tpu.memory_space<hbm>>) dst(%arg7 : memref<16x2048xf32, #tpu.memory_space<vmem>>)
    %add3A_227 = arith.constant 144 : i32
    %add3A_228 = arith.addi %mul3A_2, %add3A_227 : i32
    %dma_start3A_229 = arith.constant 0 : i32
    %dma_start3A_230 = tpu.memref_slice %arg4[%add3A_228, %dma_start3A_229] : memref<5120x2048xf32, #tpu.memory_space<hbm>> -> memref<16x2048xf32, #tpu.memory_space<hbm>>
    %dma_start3A_231 = arith.constant 0 : i32
    %dma_start3A_232 = tpu.memref_slice %arg4[%add3A_228, %dma_start3A_231] : memref<5120x2048xf32, #tpu.memory_space<hbm>> -> memref<16x2048xf32, #tpu.memory_space<hbm>>
    tpu.enqueue_dma source(%arg7 : memref<16x2048xf32, #tpu.memory_space<vmem>>) target(%dma_start3A_232 : memref<16x2048xf32, #tpu.memory_space<hbm>>) target_semaphore(%arg11 : memref<!tpu.dma_semaphore, #tpu.memory_space<semaphore_mem>>)
    %dma_wait3A_233 = arith.constant 0 : i32
    %dma_wait3A_234 = tpu.memref_slice %arg4[%add3A_228, %dma_wait3A_233] : memref<5120x2048xf32, #tpu.memory_space<hbm>> -> memref<16x2048xf32, #tpu.memory_space<hbm>>
    %dma_wait3A_235 = arith.constant 0 : i32
    %dma_wait3A_236 = tpu.memref_slice %arg4[%add3A_228, %dma_wait3A_235] : memref<5120x2048xf32, #tpu.memory_space<hbm>> -> memref<16x2048xf32, #tpu.memory_space<hbm>>
    tpu.wait_dma2 semaphore(%arg11 : memref<!tpu.dma_semaphore, #tpu.memory_space<semaphore_mem>>) src(%arg7 : memref<16x2048xf32, #tpu.memory_space<vmem>>) dst(%dma_wait3A_236 : memref<16x2048xf32, #tpu.memory_space<hbm>>)
    %dma_wait3A_237 = arith.constant 0 : i32
    %dma_wait3A_238 = tpu.memref_slice %arg4[%add3A_215, %dma_wait3A_237] : memref<5120x2048xf32, #tpu.memory_space<hbm>> -> memref<16x2048xf32, #tpu.memory_space<hbm>>
    %dma_wait3A_239 = arith.constant 0 : i32
    %dma_wait3A_240 = tpu.memref_slice %arg4[%add3A_215, %dma_wait3A_239] : memref<5120x2048xf32, #tpu.memory_space<hbm>> -> memref<16x2048xf32, #tpu.memory_space<hbm>>
    tpu.wait_dma2 semaphore(%arg10 : memref<!tpu.dma_semaphore, #tpu.memory_space<semaphore_mem>>) src(%arg6 : memref<16x2048xf32, #tpu.memory_space<vmem>>) dst(%dma_wait3A_240 : memref<16x2048xf32, #tpu.memory_space<hbm>>)
    return
  }
}

#map = affine_map<(d0, d1) -> (0, 0)>
#map1 = affine_map<(d0, d1) -> (0, 0, 0)>
module attributes {stable_mosaic.version = 14 : i64} {
  func.func @gather(%arg0: i32, %arg1: i32, %arg2: memref<12500x128xf32, #tpu.memory_space<hbm>>, %arg3: memref<32x2x80xi32, #tpu.memory_space<hbm>>, %arg4: memref<5120x128xf32, #tpu.memory_space<hbm>>, %arg5: memref<2x80xi32, #tpu.memory_space<vmem>>, %arg6: memref<160x128xf32, #tpu.memory_space<vmem>>, %arg7: memref<!tpu.dma_semaphore, #tpu.memory_space<semaphore_mem>>) attributes {dimension_semantics = [#tpu.dimension_semantics<core_parallel>, #tpu.dimension_semantics<subcore_parallel>], iteration_bounds = array<i64: 2, 16>, scalar_prefetch = 0 : i64, scratch_operands = 3 : i64, tpu.core_type = #tpu.core_type<sc_vector_subcore>, window_params = [{transform_indices = #map}, {transform_indices = #map1}, {transform_indices = #map}]} {
    %mul3A = arith.constant 2 : i32
    %mul3A_0 = arith.muli %arg1, %mul3A : i32
    %add3A = arith.addi %mul3A_0, %arg0 : i32
    %mul3A_1 = arith.constant 160 : i32
    %mul3A_2 = arith.muli %add3A, %mul3A_1 : i32
    "tpu.region"() ({
      %run_scoped3A = tpu.sem_alloc : memref<!tpu.dma_semaphore, #tpu.memory_space<semaphore_mem>>
      %dma_start3A_41 = arith.constant 0 : i32
      %dma_start3A_42 = arith.constant 0 : i32
      %dma_start3A_43 = tpu.memref_slice %arg3[%add3A, %dma_start3A_41, %dma_start3A_42] : memref<32x2x80xi32, #tpu.memory_space<hbm>> -> memref<1x2x80xi32, #tpu.memory_space<hbm>>
      %dma_start3A_44 = tpu.memref_squeeze %dma_start3A_43 : memref<1x2x80xi32, #tpu.memory_space<hbm>> -> memref<2x80xi32, #tpu.memory_space<hbm>>
      %dma_start3A_45 = arith.constant 0 : i32
      %dma_start3A_46 = arith.constant 0 : i32
      %dma_start3A_47 = tpu.memref_slice %arg3[%add3A, %dma_start3A_45, %dma_start3A_46] : memref<32x2x80xi32, #tpu.memory_space<hbm>> -> memref<1x2x80xi32, #tpu.memory_space<hbm>>
      %dma_start3A_48 = tpu.memref_squeeze %dma_start3A_47 : memref<1x2x80xi32, #tpu.memory_space<hbm>> -> memref<2x80xi32, #tpu.memory_space<hbm>>
      tpu.enqueue_dma source(%dma_start3A_48 : memref<2x80xi32, #tpu.memory_space<hbm>>) target(%arg5 : memref<2x80xi32, #tpu.memory_space<vmem>>) target_semaphore(%run_scoped3A : memref<!tpu.dma_semaphore, #tpu.memory_space<semaphore_mem>>)
      %dma_wait3A_49 = arith.constant 0 : i32
      %dma_wait3A_50 = arith.constant 0 : i32
      %dma_wait3A_51 = tpu.memref_slice %arg3[%add3A, %dma_wait3A_49, %dma_wait3A_50] : memref<32x2x80xi32, #tpu.memory_space<hbm>> -> memref<1x2x80xi32, #tpu.memory_space<hbm>>
      %dma_wait3A_52 = tpu.memref_squeeze %dma_wait3A_51 : memref<1x2x80xi32, #tpu.memory_space<hbm>> -> memref<2x80xi32, #tpu.memory_space<hbm>>
      %dma_wait3A_53 = arith.constant 0 : i32
      %dma_wait3A_54 = arith.constant 0 : i32
      %dma_wait3A_55 = tpu.memref_slice %arg3[%add3A, %dma_wait3A_53, %dma_wait3A_54] : memref<32x2x80xi32, #tpu.memory_space<hbm>> -> memref<1x2x80xi32, #tpu.memory_space<hbm>>
      %dma_wait3A_56 = tpu.memref_squeeze %dma_wait3A_55 : memref<1x2x80xi32, #tpu.memory_space<hbm>> -> memref<2x80xi32, #tpu.memory_space<hbm>>
      tpu.wait_dma2 semaphore(%run_scoped3A : memref<!tpu.dma_semaphore, #tpu.memory_space<semaphore_mem>>) src(%dma_wait3A_56 : memref<2x80xi32, #tpu.memory_space<hbm>>) dst(%arg5 : memref<2x80xi32, #tpu.memory_space<vmem>>)
      tpu.yield
    }) : () -> ()
    %dma_start3A = arith.constant 0 : i32
    %dma_start3A_3 = arith.constant 0 : i32
    %dma_start3A_4 = arith.constant 0 : i32
    %dma_start3A_5 = tpu.memref_slice %arg6[%dma_start3A_3, %dma_start3A_4] : memref<160x128xf32, #tpu.memory_space<vmem>> -> memref<80x128xf32, #tpu.memory_space<vmem>>
    %dma_start3A_6 = arith.constant 0 : i32
    %dma_start3A_7 = tpu.memref_slice %arg5[%dma_start3A, %dma_start3A_6] : memref<2x80xi32, #tpu.memory_space<vmem>> -> memref<1x80xi32, #tpu.memory_space<vmem>>
    %dma_start3A_8 = tpu.memref_squeeze %dma_start3A_7 : memref<1x80xi32, #tpu.memory_space<vmem>> -> memref<80xi32, #tpu.memory_space<vmem>>
    %dma_start3A_9 = arith.constant 0 : i32
    %dma_start3A_10 = arith.constant 0 : i32
    %dma_start3A_11 = tpu.memref_slice %arg2[%dma_start3A_9, %dma_start3A_10] : memref<12500x128xf32, #tpu.memory_space<hbm>> -> memref<12500x128xf32, #tpu.memory_space<hbm>>
    tpu.enqueue_indirect_dma source(%dma_start3A_11 : memref<12500x128xf32, #tpu.memory_space<hbm>>) target(%dma_start3A_5 : memref<80x128xf32, #tpu.memory_space<vmem>>) offsets(%dma_start3A_8 : memref<80xi32, #tpu.memory_space<vmem>>) semaphore(%arg7 : memref<!tpu.dma_semaphore, #tpu.memory_space<semaphore_mem>>)
    %dma_start3A_12 = arith.constant 1 : i32
    %dma_start3A_13 = arith.constant 80 : i32
    %dma_start3A_14 = arith.constant 0 : i32
    %dma_start3A_15 = tpu.memref_slice %arg6[%dma_start3A_13, %dma_start3A_14] : memref<160x128xf32, #tpu.memory_space<vmem>> -> memref<80x128xf32, #tpu.memory_space<vmem>>
    %dma_start3A_16 = arith.constant 0 : i32
    %dma_start3A_17 = tpu.memref_slice %arg5[%dma_start3A_12, %dma_start3A_16] : memref<2x80xi32, #tpu.memory_space<vmem>> -> memref<1x80xi32, #tpu.memory_space<vmem>>
    %dma_start3A_18 = tpu.memref_squeeze %dma_start3A_17 : memref<1x80xi32, #tpu.memory_space<vmem>> -> memref<80xi32, #tpu.memory_space<vmem>>
    %dma_start3A_19 = arith.constant 0 : i32
    %dma_start3A_20 = arith.constant 0 : i32
    %dma_start3A_21 = tpu.memref_slice %arg2[%dma_start3A_19, %dma_start3A_20] : memref<12500x128xf32, #tpu.memory_space<hbm>> -> memref<12500x128xf32, #tpu.memory_space<hbm>>
    tpu.enqueue_indirect_dma source(%dma_start3A_21 : memref<12500x128xf32, #tpu.memory_space<hbm>>) target(%dma_start3A_15 : memref<80x128xf32, #tpu.memory_space<vmem>>) offsets(%dma_start3A_18 : memref<80xi32, #tpu.memory_space<vmem>>) semaphore(%arg7 : memref<!tpu.dma_semaphore, #tpu.memory_space<semaphore_mem>>)
    %dma_wait3A = arith.constant 0 : i32
    %dma_wait3A_22 = arith.constant 0 : i32
    %dma_wait3A_23 = arith.constant 0 : i32
    %dma_wait3A_24 = tpu.memref_slice %arg6[%dma_wait3A_22, %dma_wait3A_23] : memref<160x128xf32, #tpu.memory_space<vmem>> -> memref<80x128xf32, #tpu.memory_space<vmem>>
    %dma_wait3A_25 = arith.constant 0 : i32
    %dma_wait3A_26 = tpu.memref_slice %arg5[%dma_wait3A, %dma_wait3A_25] : memref<2x80xi32, #tpu.memory_space<vmem>> -> memref<1x80xi32, #tpu.memory_space<vmem>>
    %dma_wait3A_27 = tpu.memref_squeeze %dma_wait3A_26 : memref<1x80xi32, #tpu.memory_space<vmem>> -> memref<80xi32, #tpu.memory_space<vmem>>
    %dma_wait3A_28 = arith.constant 0 : i32
    %dma_wait3A_29 = arith.constant 0 : i32
    %dma_wait3A_30 = tpu.memref_slice %arg2[%dma_wait3A_28, %dma_wait3A_29] : memref<12500x128xf32, #tpu.memory_space<hbm>> -> memref<12500x128xf32, #tpu.memory_space<hbm>>
    tpu.wait_indirect_dma semaphore(%arg7 : memref<!tpu.dma_semaphore, #tpu.memory_space<semaphore_mem>>) src(%dma_wait3A_30 : memref<12500x128xf32, #tpu.memory_space<hbm>>) dst(%dma_wait3A_24 : memref<80x128xf32, #tpu.memory_space<vmem>>)
    %dma_wait3A_31 = arith.constant 1 : i32
    %dma_wait3A_32 = arith.constant 80 : i32
    %dma_wait3A_33 = arith.constant 0 : i32
    %dma_wait3A_34 = tpu.memref_slice %arg6[%dma_wait3A_32, %dma_wait3A_33] : memref<160x128xf32, #tpu.memory_space<vmem>> -> memref<80x128xf32, #tpu.memory_space<vmem>>
    %dma_wait3A_35 = arith.constant 0 : i32
    %dma_wait3A_36 = tpu.memref_slice %arg5[%dma_wait3A_31, %dma_wait3A_35] : memref<2x80xi32, #tpu.memory_space<vmem>> -> memref<1x80xi32, #tpu.memory_space<vmem>>
    %dma_wait3A_37 = tpu.memref_squeeze %dma_wait3A_36 : memref<1x80xi32, #tpu.memory_space<vmem>> -> memref<80xi32, #tpu.memory_space<vmem>>
    %dma_wait3A_38 = arith.constant 0 : i32
    %dma_wait3A_39 = arith.constant 0 : i32
    %dma_wait3A_40 = tpu.memref_slice %arg2[%dma_wait3A_38, %dma_wait3A_39] : memref<12500x128xf32, #tpu.memory_space<hbm>> -> memref<12500x128xf32, #tpu.memory_space<hbm>>
    tpu.wait_indirect_dma semaphore(%arg7 : memref<!tpu.dma_semaphore, #tpu.memory_space<semaphore_mem>>) src(%dma_wait3A_40 : memref<12500x128xf32, #tpu.memory_space<hbm>>) dst(%dma_wait3A_34 : memref<80x128xf32, #tpu.memory_space<vmem>>)
    "tpu.region"() ({
      %run_scoped3A = tpu.sem_alloc : memref<!tpu.dma_semaphore, #tpu.memory_space<semaphore_mem>>
      %dma_start3A_41 = arith.constant 0 : i32
      %dma_start3A_42 = tpu.memref_slice %arg4[%mul3A_2, %dma_start3A_41] : memref<5120x128xf32, #tpu.memory_space<hbm>> -> memref<160x128xf32, #tpu.memory_space<hbm>>
      %dma_start3A_43 = arith.constant 0 : i32
      %dma_start3A_44 = tpu.memref_slice %arg4[%mul3A_2, %dma_start3A_43] : memref<5120x128xf32, #tpu.memory_space<hbm>> -> memref<160x128xf32, #tpu.memory_space<hbm>>
      tpu.enqueue_dma source(%arg6 : memref<160x128xf32, #tpu.memory_space<vmem>>) target(%dma_start3A_44 : memref<160x128xf32, #tpu.memory_space<hbm>>) target_semaphore(%run_scoped3A : memref<!tpu.dma_semaphore, #tpu.memory_space<semaphore_mem>>)
      %dma_wait3A_45 = arith.constant 0 : i32
      %dma_wait3A_46 = tpu.memref_slice %arg4[%mul3A_2, %dma_wait3A_45] : memref<5120x128xf32, #tpu.memory_space<hbm>> -> memref<160x128xf32, #tpu.memory_space<hbm>>
      %dma_wait3A_47 = arith.constant 0 : i32
      %dma_wait3A_48 = tpu.memref_slice %arg4[%mul3A_2, %dma_wait3A_47] : memref<5120x128xf32, #tpu.memory_space<hbm>> -> memref<160x128xf32, #tpu.memory_space<hbm>>
      tpu.wait_dma2 semaphore(%run_scoped3A : memref<!tpu.dma_semaphore, #tpu.memory_space<semaphore_mem>>) src(%arg6 : memref<160x128xf32, #tpu.memory_space<vmem>>) dst(%dma_wait3A_48 : memref<160x128xf32, #tpu.memory_space<hbm>>)
      tpu.yield
    }) : () -> ()
    return
  }
}

module attributes {stable_mosaic.version = 14 : i64} {
  func.func @_colscale_kernel(%arg0: memref<16x102400xf32, #tpu.memory_space<vmem>>, %arg1: memref<1x102400xf32, #tpu.memory_space<vmem>>) attributes {dimension_semantics = [], scalar_prefetch = 0 : i64, scratch_operands = 0 : i64, tpu.core_type = #tpu.core_type<tc>} {
    %get3A = arith.constant 0 : index
    %get3A_0 = arith.constant 0 : index
    %get3A_1 = vector.load %arg0[%get3A, %get3A_0] : memref<16x102400xf32, #tpu.memory_space<vmem>>, vector<16x102400xf32>
    %mul3A = arith.mulf %get3A_1, %get3A_1 : vector<16x102400xf32>
    %reduce_sum3A = arith.constant dense<0.000000e+00> : vector<102400xf32>
    %reduce_sum3A_2 = vector.multi_reduction <add>, %mul3A, %reduce_sum3A [0] : vector<16x102400xf32> to vector<102400xf32>
    %broadcast_in_dim3A = vector.shape_cast %reduce_sum3A_2 : vector<102400xf32> to vector<1x102400xf32>
    %sqrt3A = math.sqrt %broadcast_in_dim3A : vector<1x102400xf32>
    %max3A = arith.constant 9.99999993E-9 : f32
    %max3A_3 = vector.broadcast %max3A : f32 to vector<1x102400xf32>
    %max3A_4 = arith.maximumf %sqrt3A, %max3A_3 : vector<1x102400xf32>
    %div3A = arith.constant 1.000000e+00 : f32
    %div3A_5 = vector.broadcast %div3A : f32 to vector<1x102400xf32>
    %div3A_6 = arith.divf %div3A_5, %max3A_4 : vector<1x102400xf32>
    %iota3A = tpu.iota {dimensions = array<i32: 1>} : vector<1x102400xi32>
    %lt3A = arith.constant 100000 : i32
    %lt3A_7 = vector.broadcast %lt3A : i32 to vector<1x102400xi32>
    %lt3A_8 = arith.cmpi slt, %iota3A, %lt3A_7 : vector<1x102400xi32>
    %jit3A = arith.constant 0.000000e+00 : f32
    %broadcast_in_dim3A_9 = vector.broadcast %jit3A : f32 to vector<1x102400xf32>
    %select_n3A = arith.select %lt3A_8, %div3A_6, %broadcast_in_dim3A_9 : vector<1x102400xi1>, vector<1x102400xf32>
    %swap3A = arith.constant 0 : index
    %swap3A_10 = arith.constant 0 : index
    %swap3A_11 = vector.load %arg1[%swap3A, %swap3A_10] : memref<1x102400xf32, #tpu.memory_space<vmem>>, vector<1x102400xf32>
    tpu.vector_store %arg1[%swap3A, %swap3A_10], %select_n3A {strides = array<i32>} : memref<1x102400xf32, #tpu.memory_space<vmem>>, vector<1x102400xf32>,
    return
  }
}

module attributes {stable_mosaic.version = 14 : i64} {
  func.func @_scan_kernel(%arg0: i32, %arg1: memref<1024x16xf32, #tpu.memory_space<vmem>>, %arg2: memref<16x2048xf32, #tpu.memory_space<vmem>>, %arg3: memref<1x2048xf32, #tpu.memory_space<vmem>>, %arg4: memref<1x1024x16xf32, #tpu.memory_space<vmem>>) attributes {dimension_semantics = [#tpu.dimension_semantics<arbitrary>], iteration_bounds = array<i64: 50>, scalar_prefetch = 0 : i64, scratch_operands = 0 : i64, tpu.core_type = #tpu.core_type<tc>, window_params = [{pipeline_mode = #tpu.pipeline_mode<synchronous>, transform_indices = @transform_0, window_bounds = array<i64: 1024, 16>}, {transform_indices = @transform_1, window_bounds = array<i64: 16, 2048>}, {transform_indices = @transform_2, window_bounds = array<i64: 1, 2048>}, {transform_indices = @transform_3, window_bounds = array<i64: 1, 1024, 16>}]} {
    %get3A = arith.constant 0 : index
    %get3A_0 = arith.constant 0 : index
    %get3A_1 = vector.load %arg1[%get3A, %get3A_0] : memref<1024x16xf32, #tpu.memory_space<vmem>>, vector<1024x16xf32>
    %get3A_2 = arith.constant 0 : index
    %get3A_3 = arith.constant 0 : index
    %get3A_4 = vector.load %arg2[%get3A_2, %get3A_3] : memref<16x2048xf32, #tpu.memory_space<vmem>>, vector<16x2048xf32>
    %dot_general3A = arith.constant dense<0.000000e+00> : vector<1024x2048xf32>
    %dot_general3A_5 = tpu.matmul %get3A_1, %get3A_4, %dot_general3A {dimension_numbers = #tpu.dot_dimension_numbers<[1], [0], [0], [1], [0, 0, 1, 1], [], []>, transpose_lhs_hint = false} : vector<1024x16xf32>, vector<16x2048xf32>, vector<1024x2048xf32> -> vector<1024x2048xf32>
    %get3A_6 = arith.constant 0 : index
    %get3A_7 = arith.constant 0 : index
    %get3A_8 = vector.load %arg3[%get3A_6, %get3A_7] : memref<1x2048xf32, #tpu.memory_space<vmem>>, vector<1x2048xf32>
    %mul3A = vector.broadcast %get3A_8 : vector<1x2048xf32> to vector<1024x2048xf32>
    %mul3A_9 = arith.mulf %dot_general3A_5, %mul3A : vector<1024x2048xf32>
    %reshape3A = vector.shape_cast %mul3A_9 : vector<1024x2048xf32> to vector<1024x16x128xf32>
    %reduce_max3A = arith.constant dense<0xFF800000> : vector<1024x16xf32>
    %reduce_max3A_10 = vector.multi_reduction <maximumf>, %reshape3A, %reduce_max3A [2] : vector<1024x16x128xf32> to vector<1024x16xf32>
    %broadcast_in_dim3A = vector.shape_cast %reduce_max3A_10 : vector<1024x16xf32> to vector<1x1024x16xf32>
    %swap3A = arith.constant 0 : index
    %swap3A_11 = arith.constant 0 : index
    %swap3A_12 = arith.constant 0 : index
    %swap3A_13 = vector.load %arg4[%swap3A, %swap3A_11, %swap3A_12] : memref<1x1024x16xf32, #tpu.memory_space<vmem>>, vector<1x1024x16xf32>
    tpu.vector_store %arg4[%swap3A, %swap3A_11, %swap3A_12], %broadcast_in_dim3A {strides = array<i32>} : memref<1x1024x16xf32, #tpu.memory_space<vmem>>, vector<1x1024x16xf32>,
    return
  }
  func.func @transform_0(%arg0: i32) -> (i32, i32) {
    %c0_i32 = arith.constant 0 : i32
    %c0_i32_0 = arith.constant 0 : i32
    %c0_i32_1 = arith.constant 0 : i32
    return %c0_i32, %c0_i32_0 : i32, i32
  }
  func.func @transform_1(%arg0: i32) -> (i32, i32) {
    %c0_i32 = arith.constant 0 : i32
    %c0_i32_0 = arith.constant 0 : i32
    return %c0_i32, %arg0 : i32, i32
  }
  func.func @transform_2(%arg0: i32) -> (i32, i32) {
    %c0_i32 = arith.constant 0 : i32
    %c0_i32_0 = arith.constant 0 : i32
    return %c0_i32, %arg0 : i32, i32
  }
  func.func @transform_3(%arg0: i32) -> (i32, i32, i32) {
    %c0_i32 = arith.constant 0 : i32
    %c0_i32_0 = arith.constant 0 : i32
    %c0_i32_1 = arith.constant 0 : i32
    return %arg0, %c0_i32, %c0_i32_0 : i32, i32, i32
  }
}

module attributes {stable_mosaic.version = 14 : i64} {
  func.func @_gtopk_kernel(%arg0: memref<1024x800xf32, #tpu.memory_space<vmem>>, %arg1: memref<1024x5xi32, #tpu.memory_space<vmem>>) attributes {dimension_semantics = [], scalar_prefetch = 0 : i64, scratch_operands = 0 : i64, tpu.core_type = #tpu.core_type<tc>} {
    %get3A = arith.constant 0 : index
    %get3A_0 = arith.constant 0 : index
    %get3A_1 = vector.load %arg0[%get3A, %get3A_0] : memref<1024x800xf32, #tpu.memory_space<vmem>>, vector<1024x800xf32>
    %iota3A = tpu.iota {dimensions = array<i32: 1>} : vector<1024x800xi32>
    %lt3A = arith.constant 782 : i32
    %lt3A_2 = vector.broadcast %lt3A : i32 to vector<1024x800xi32>
    %lt3A_3 = arith.cmpi slt, %iota3A, %lt3A_2 : vector<1024x800xi32>
    %jit3A = arith.constant -3.000000e+38 : f32
    %broadcast_in_dim3A = vector.broadcast %jit3A : f32 to vector<1024x800xf32>
    %select_n3A = arith.select %lt3A_3, %get3A_1, %broadcast_in_dim3A : vector<1024x800xi1>, vector<1024x800xf32>
    %reduce_max3A = arith.constant dense<0xFF800000> : vector<1024xf32>
    %reduce_max3A_4 = vector.multi_reduction <maximumf>, %select_n3A, %reduce_max3A [1] : vector<1024x800xf32> to vector<1024xf32>
    %broadcast_in_dim3A_5 = vector.shape_cast %reduce_max3A_4 : vector<1024xf32> to vector<1024x1xf32>
    %eq3A = vector.broadcast %broadcast_in_dim3A_5 : vector<1024x1xf32> to vector<1024x800xf32>
    %eq3A_6 = arith.cmpf oeq, %select_n3A, %eq3A : vector<1024x800xf32>
    %jit3A_7 = arith.constant 2147483647 : i32
    %broadcast_in_dim3A_8 = vector.broadcast %jit3A_7 : i32 to vector<1024x800xi32>
    %select_n3A_9 = arith.select %eq3A_6, %iota3A, %broadcast_in_dim3A_8 : vector<1024x800xi1>, vector<1024x800xi32>
    %reduce_min3A = arith.constant dense<2147483647> : vector<1024xi32>
    %reduce_min3A_10 = vector.multi_reduction <minsi>, %select_n3A_9, %reduce_min3A [1] : vector<1024x800xi32> to vector<1024xi32>
    %broadcast_in_dim3A_11 = vector.shape_cast %reduce_min3A_10 : vector<1024xi32> to vector<1024x1xi32>
    %eq3A_12 = vector.broadcast %broadcast_in_dim3A_11 : vector<1024x1xi32> to vector<1024x800xi32>
    %eq3A_13 = arith.cmpi eq, %iota3A, %eq3A_12 : vector<1024x800xi32>
    %jit3A_14 = arith.constant -3.000000e+38 : f32
    %broadcast_in_dim3A_15 = vector.broadcast %jit3A_14 : f32 to vector<1024x800xf32>
    %select_n3A_16 = arith.select %eq3A_13, %broadcast_in_dim3A_15, %select_n3A : vector<1024x800xi1>, vector<1024x800xf32>
    %reduce_max3A_17 = arith.constant dense<0xFF800000> : vector<1024xf32>
    %reduce_max3A_18 = vector.multi_reduction <maximumf>, %select_n3A_16, %reduce_max3A_17 [1] : vector<1024x800xf32> to vector<1024xf32>
    %broadcast_in_dim3A_19 = vector.shape_cast %reduce_max3A_18 : vector<1024xf32> to vector<1024x1xf32>
    %eq3A_20 = vector.broadcast %broadcast_in_dim3A_19 : vector<1024x1xf32> to vector<1024x800xf32>
    %eq3A_21 = arith.cmpf oeq, %select_n3A_16, %eq3A_20 : vector<1024x800xf32>
    %jit3A_22 = arith.constant 2147483647 : i32
    %broadcast_in_dim3A_23 = vector.broadcast %jit3A_22 : i32 to vector<1024x800xi32>
    %select_n3A_24 = arith.select %eq3A_21, %iota3A, %broadcast_in_dim3A_23 : vector<1024x800xi1>, vector<1024x800xi32>
    %reduce_min3A_25 = arith.constant dense<2147483647> : vector<1024xi32>
    %reduce_min3A_26 = vector.multi_reduction <minsi>, %select_n3A_24, %reduce_min3A_25 [1] : vector<1024x800xi32> to vector<1024xi32>
    %broadcast_in_dim3A_27 = vector.shape_cast %reduce_min3A_26 : vector<1024xi32> to vector<1024x1xi32>
    %eq3A_28 = vector.broadcast %broadcast_in_dim3A_27 : vector<1024x1xi32> to vector<1024x800xi32>
    %eq3A_29 = arith.cmpi eq, %iota3A, %eq3A_28 : vector<1024x800xi32>
    %jit3A_30 = arith.constant -3.000000e+38 : f32
    %broadcast_in_dim3A_31 = vector.broadcast %jit3A_30 : f32 to vector<1024x800xf32>
    %select_n3A_32 = arith.select %eq3A_29, %broadcast_in_dim3A_31, %select_n3A_16 : vector<1024x800xi1>, vector<1024x800xf32>
    %reduce_max3A_33 = arith.constant dense<0xFF800000> : vector<1024xf32>
    %reduce_max3A_34 = vector.multi_reduction <maximumf>, %select_n3A_32, %reduce_max3A_33 [1] : vector<1024x800xf32> to vector<1024xf32>
    %broadcast_in_dim3A_35 = vector.shape_cast %reduce_max3A_34 : vector<1024xf32> to vector<1024x1xf32>
    %eq3A_36 = vector.broadcast %broadcast_in_dim3A_35 : vector<1024x1xf32> to vector<1024x800xf32>
    %eq3A_37 = arith.cmpf oeq, %select_n3A_32, %eq3A_36 : vector<1024x800xf32>
    %jit3A_38 = arith.constant 2147483647 : i32
    %broadcast_in_dim3A_39 = vector.broadcast %jit3A_38 : i32 to vector<1024x800xi32>
    %select_n3A_40 = arith.select %eq3A_37, %iota3A, %broadcast_in_dim3A_39 : vector<1024x800xi1>, vector<1024x800xi32>
    %reduce_min3A_41 = arith.constant dense<2147483647> : vector<1024xi32>
    %reduce_min3A_42 = vector.multi_reduction <minsi>, %select_n3A_40, %reduce_min3A_41 [1] : vector<1024x800xi32> to vector<1024xi32>
    %broadcast_in_dim3A_43 = vector.shape_cast %reduce_min3A_42 : vector<1024xi32> to vector<1024x1xi32>
    %eq3A_44 = vector.broadcast %broadcast_in_dim3A_43 : vector<1024x1xi32> to vector<1024x800xi32>
    %eq3A_45 = arith.cmpi eq, %iota3A, %eq3A_44 : vector<1024x800xi32>
    %jit3A_46 = arith.constant -3.000000e+38 : f32
    %broadcast_in_dim3A_47 = vector.broadcast %jit3A_46 : f32 to vector<1024x800xf32>
    %select_n3A_48 = arith.select %eq3A_45, %broadcast_in_dim3A_47, %select_n3A_32 : vector<1024x800xi1>, vector<1024x800xf32>
    %reduce_max3A_49 = arith.constant dense<0xFF800000> : vector<1024xf32>
    %reduce_max3A_50 = vector.multi_reduction <maximumf>, %select_n3A_48, %reduce_max3A_49 [1] : vector<1024x800xf32> to vector<1024xf32>
    %broadcast_in_dim3A_51 = vector.shape_cast %reduce_max3A_50 : vector<1024xf32> to vector<1024x1xf32>
    %eq3A_52 = vector.broadcast %broadcast_in_dim3A_51 : vector<1024x1xf32> to vector<1024x800xf32>
    %eq3A_53 = arith.cmpf oeq, %select_n3A_48, %eq3A_52 : vector<1024x800xf32>
    %jit3A_54 = arith.constant 2147483647 : i32
    %broadcast_in_dim3A_55 = vector.broadcast %jit3A_54 : i32 to vector<1024x800xi32>
    %select_n3A_56 = arith.select %eq3A_53, %iota3A, %broadcast_in_dim3A_55 : vector<1024x800xi1>, vector<1024x800xi32>
    %reduce_min3A_57 = arith.constant dense<2147483647> : vector<1024xi32>
    %reduce_min3A_58 = vector.multi_reduction <minsi>, %select_n3A_56, %reduce_min3A_57 [1] : vector<1024x800xi32> to vector<1024xi32>
    %broadcast_in_dim3A_59 = vector.shape_cast %reduce_min3A_58 : vector<1024xi32> to vector<1024x1xi32>
    %eq3A_60 = vector.broadcast %broadcast_in_dim3A_59 : vector<1024x1xi32> to vector<1024x800xi32>
    %eq3A_61 = arith.cmpi eq, %iota3A, %eq3A_60 : vector<1024x800xi32>
    %jit3A_62 = arith.constant -3.000000e+38 : f32
    %broadcast_in_dim3A_63 = vector.broadcast %jit3A_62 : f32 to vector<1024x800xf32>
    %select_n3A_64 = arith.select %eq3A_61, %broadcast_in_dim3A_63, %select_n3A_48 : vector<1024x800xi1>, vector<1024x800xf32>
    %reduce_max3A_65 = arith.constant dense<0xFF800000> : vector<1024xf32>
    %reduce_max3A_66 = vector.multi_reduction <maximumf>, %select_n3A_64, %reduce_max3A_65 [1] : vector<1024x800xf32> to vector<1024xf32>
    %broadcast_in_dim3A_67 = vector.shape_cast %reduce_max3A_66 : vector<1024xf32> to vector<1024x1xf32>
    %eq3A_68 = vector.broadcast %broadcast_in_dim3A_67 : vector<1024x1xf32> to vector<1024x800xf32>
    %eq3A_69 = arith.cmpf oeq, %select_n3A_64, %eq3A_68 : vector<1024x800xf32>
    %jit3A_70 = arith.constant 2147483647 : i32
    %broadcast_in_dim3A_71 = vector.broadcast %jit3A_70 : i32 to vector<1024x800xi32>
    %select_n3A_72 = arith.select %eq3A_69, %iota3A, %broadcast_in_dim3A_71 : vector<1024x800xi1>, vector<1024x800xi32>
    %reduce_min3A_73 = arith.constant dense<2147483647> : vector<1024xi32>
    %reduce_min3A_74 = vector.multi_reduction <minsi>, %select_n3A_72, %reduce_min3A_73 [1] : vector<1024x800xi32> to vector<1024xi32>
    %broadcast_in_dim3A_75 = vector.shape_cast %reduce_min3A_74 : vector<1024xi32> to vector<1024x1xi32>
    %concatenate3A = tpu.concatenate %broadcast_in_dim3A_11, %broadcast_in_dim3A_27, %broadcast_in_dim3A_43, %broadcast_in_dim3A_59, %broadcast_in_dim3A_75 in 1 : vector<1024x1xi32>, vector<1024x1xi32>, vector<1024x1xi32>, vector<1024x1xi32>, vector<1024x1xi32> -> vector<1024x5xi32>
    %swap3A = arith.constant 0 : index
    %swap3A_76 = arith.constant 0 : index
    %swap3A_77 = vector.load %arg1[%swap3A, %swap3A_76] : memref<1024x5xi32, #tpu.memory_space<vmem>>, vector<1024x5xi32>
    tpu.vector_store %arg1[%swap3A, %swap3A_76], %concatenate3A {strides = array<i32>} : memref<1024x5xi32, #tpu.memory_space<vmem>>, vector<1024x5xi32>,
    return
  }
}

module attributes {stable_mosaic.version = 14 : i64} {
  func.func @_ctopk_kernel(%arg0: i32, %arg1: memref<640x2048xf32, #tpu.memory_space<vmem>>, %arg2: memref<640x16xf32, #tpu.memory_space<vmem>>, %arg3: memref<128x5xi32, #tpu.memory_space<vmem>>, %arg4: memref<128x16xf32, #tpu.memory_space<vmem>>, %arg5: memref<128x5xf32, #tpu.memory_space<vmem>>, %arg6: memref<128x5xi32, #tpu.memory_space<vmem>>) attributes {dimension_semantics = [#tpu.dimension_semantics<arbitrary>], iteration_bounds = array<i64: 8>, scalar_prefetch = 0 : i64, scratch_operands = 0 : i64, tpu.core_type = #tpu.core_type<tc>, window_params = [{transform_indices = @transform_0, window_bounds = array<i64: 640, 2048>}, {transform_indices = @transform_1, window_bounds = array<i64: 640, 16>}, {transform_indices = @transform_2, window_bounds = array<i64: 128, 5>}, {transform_indices = @transform_3, window_bounds = array<i64: 128, 16>}, {transform_indices = @transform_4, window_bounds = array<i64: 128, 5>}, {transform_indices = @transform_5, window_bounds = array<i64: 128, 5>}]} {
    %get3A = arith.constant 0 : index
    %get3A_0 = arith.constant 0 : index
    %get3A_1 = vector.load %arg1[%get3A, %get3A_0] : memref<640x2048xf32, #tpu.memory_space<vmem>>, vector<640x2048xf32>
    %reshape3A = vector.shape_cast %get3A_1 : vector<640x2048xf32> to vector<640x16x128xf32>
    %get3A_2 = arith.constant 0 : index
    %get3A_3 = arith.constant 0 : index
    %get3A_4 = vector.load %arg2[%get3A_2, %get3A_3] : memref<640x16xf32, #tpu.memory_space<vmem>>, vector<640x16xf32>
    %reshape3A_5 = vector.shape_cast %get3A_4 : vector<640x16xf32> to vector<640x16x1xf32>
    %convert_element_type3A = arith.truncf %reshape3A : vector<640x16x128xf32> to vector<640x16x128xbf16>
    %convert_element_type3A_6 = arith.extf %convert_element_type3A : vector<640x16x128xbf16> to vector<640x16x128xf32>
    %convert_element_type3A_7 = arith.truncf %reshape3A_5 : vector<640x16x1xf32> to vector<640x16x1xbf16>
    %convert_element_type3A_8 = arith.extf %convert_element_type3A_7 : vector<640x16x1xbf16> to vector<640x16x1xf32>
    %mul3A = vector.broadcast %convert_element_type3A_8 : vector<640x16x1xf32> to vector<640x16x128xf32>
    %mul3A_9 = arith.mulf %convert_element_type3A_6, %mul3A : vector<640x16x128xf32>
    %reduce_sum3A = arith.constant dense<0.000000e+00> : vector<640x128xf32>
    %reduce_sum3A_10 = vector.multi_reduction <add>, %mul3A_9, %reduce_sum3A [1] : vector<640x16x128xf32> to vector<640x128xf32>
    %mul3A_11 = arith.mulf %reshape3A, %reshape3A : vector<640x16x128xf32>
    %reduce_sum3A_12 = arith.constant dense<0.000000e+00> : vector<640x128xf32>
    %reduce_sum3A_13 = vector.multi_reduction <add>, %mul3A_11, %reduce_sum3A_12 [1] : vector<640x16x128xf32> to vector<640x128xf32>
    %reshape3A_14 = vector.shape_cast %reduce_sum3A_10 : vector<640x128xf32> to vector<128x640xf32>
    %reshape3A_15 = vector.shape_cast %reduce_sum3A_13 : vector<640x128xf32> to vector<128x640xf32>
    %sqrt3A = math.sqrt %reshape3A_15 : vector<128x640xf32>
    %max3A = arith.constant 9.99999993E-9 : f32
    %max3A_16 = vector.broadcast %max3A : f32 to vector<128x640xf32>
    %max3A_17 = arith.maximumf %sqrt3A, %max3A_16 : vector<128x640xf32>
    %get3A_18 = arith.constant 0 : index
    %get3A_19 = arith.constant 0 : index
    %get3A_20 = vector.load %arg4[%get3A_18, %get3A_19] : memref<128x16xf32, #tpu.memory_space<vmem>>, vector<128x16xf32>
    %mul3A_21 = arith.mulf %get3A_20, %get3A_20 : vector<128x16xf32>
    %reduce_sum3A_22 = arith.constant dense<0.000000e+00> : vector<128xf32>
    %reduce_sum3A_23 = vector.multi_reduction <add>, %mul3A_21, %reduce_sum3A_22 [1] : vector<128x16xf32> to vector<128xf32>
    %broadcast_in_dim3A = vector.shape_cast %reduce_sum3A_23 : vector<128xf32> to vector<128x1xf32>
    %sqrt3A_24 = math.sqrt %broadcast_in_dim3A : vector<128x1xf32>
    %max3A_25 = arith.constant 9.99999993E-9 : f32
    %max3A_26 = vector.broadcast %max3A_25 : f32 to vector<128x1xf32>
    %max3A_27 = arith.maximumf %sqrt3A_24, %max3A_26 : vector<128x1xf32>
    %mul3A_28 = vector.broadcast %max3A_27 : vector<128x1xf32> to vector<128x640xf32>
    %mul3A_29 = arith.mulf %mul3A_28, %max3A_17 : vector<128x640xf32>
    %div3A = arith.divf %reshape3A_14, %mul3A_29 : vector<128x640xf32>
    %get3A_30 = arith.constant 0 : index
    %get3A_31 = arith.constant 0 : index
    %get3A_32 = vector.load %arg3[%get3A_30, %get3A_31] : memref<128x5xi32, #tpu.memory_space<vmem>>, vector<128x5xi32>
    %iota3A = tpu.iota {dimensions = array<i32: 1>} : vector<128x640xi32>
    %jit3A = arith.constant 128 : i32
    %div3A_33 = vector.broadcast %jit3A : i32 to vector<128x640xi32>
    %div3A_34 = arith.divsi %iota3A, %div3A_33 : vector<128x640xi32>
    %sign3A = arith.constant 0 : i32
    %sign3A_35 = vector.broadcast %sign3A : i32 to vector<128x640xi32>
    %sign3A_36 = arith.cmpi sgt, %iota3A, %sign3A_35 : vector<128x640xi32>
    %sign3A_37 = arith.extui %sign3A_36 : vector<128x640xi1> to vector<128x640xi32>
    %sign3A_38 = arith.constant 0 : i32
    %sign3A_39 = vector.broadcast %sign3A_38 : i32 to vector<128x640xi32>
    %sign3A_40 = arith.cmpi slt, %iota3A, %sign3A_39 : vector<128x640xi32>
    %sign3A_41 = arith.extui %sign3A_40 : vector<128x640xi1> to vector<128x640xi32>
    %sign3A_42 = arith.subi %sign3A_37, %sign3A_41 : vector<128x640xi32>
    %sign3A_43 = arith.constant 0 : i32
    %sign3A_44 = arith.cmpi sgt, %jit3A, %sign3A_43 : i32
    %sign3A_45 = arith.extui %sign3A_44 : i1 to i32
    %sign3A_46 = arith.constant 0 : i32
    %sign3A_47 = arith.cmpi slt, %jit3A, %sign3A_46 : i32
    %sign3A_48 = arith.extui %sign3A_47 : i1 to i32
    %sign3A_49 = arith.subi %sign3A_45, %sign3A_48 : i32
    %ne3A = vector.broadcast %sign3A_49 : i32 to vector<128x640xi32>
    %ne3A_50 = arith.cmpi ne, %sign3A_42, %ne3A : vector<128x640xi32>
    %rem3A = vector.broadcast %jit3A : i32 to vector<128x640xi32>
    %rem3A_51 = arith.remsi %iota3A, %rem3A : vector<128x640xi32>
    %ne3A_52 = arith.constant 0 : i32
    %ne3A_53 = vector.broadcast %ne3A_52 : i32 to vector<128x640xi32>
    %ne3A_54 = arith.cmpi ne, %rem3A_51, %ne3A_53 : vector<128x640xi32>
    %and3A = arith.andi %ne3A_50, %ne3A_54 : vector<128x640xi1>
    %sub3A = arith.constant 1 : i32
    %sub3A_55 = vector.broadcast %sub3A : i32 to vector<128x640xi32>
    %sub3A_56 = arith.subi %div3A_34, %sub3A_55 : vector<128x640xi32>
    %select_n3A = arith.select %and3A, %sub3A_56, %div3A_34 : vector<128x640xi1>, vector<128x640xi32>
    %broadcast_in_dim3A_57 = arith.constant 0 : i32
    %broadcast_in_dim3A_58 = vector.broadcast %broadcast_in_dim3A_57 : i32 to vector<128x640xi32>
    %eq3A = arith.constant 0 : i32
    %eq3A_59 = vector.broadcast %eq3A : i32 to vector<128x640xi32>
    %eq3A_60 = arith.cmpi eq, %select_n3A, %eq3A_59 : vector<128x640xi32>
    %slice3A = vector.extract_strided_slice %get3A_32 {offsets = [0, 0], sizes = [128, 1], strides = [1, 1]} : vector<128x5xi32> to vector<128x1xi32>
    %broadcast_in_dim3A_61 = vector.shape_cast %slice3A : vector<128x1xi32> to vector<128x1xi32>
    %broadcast_in_dim3A_62 = vector.broadcast %broadcast_in_dim3A_61 : vector<128x1xi32> to vector<128x640xi32>
    %select_n3A_63 = arith.select %eq3A_60, %broadcast_in_dim3A_62, %broadcast_in_dim3A_58 : vector<128x640xi1>, vector<128x640xi32>
    %eq3A_64 = arith.constant 1 : i32
    %eq3A_65 = vector.broadcast %eq3A_64 : i32 to vector<128x640xi32>
    %eq3A_66 = arith.cmpi eq, %select_n3A, %eq3A_65 : vector<128x640xi32>
    %slice3A_67 = vector.extract_strided_slice %get3A_32 {offsets = [0, 1], sizes = [128, 1], strides = [1, 1]} : vector<128x5xi32> to vector<128x1xi32>
    %broadcast_in_dim3A_68 = vector.shape_cast %slice3A_67 : vector<128x1xi32> to vector<128x1xi32>
    %broadcast_in_dim3A_69 = vector.broadcast %broadcast_in_dim3A_68 : vector<128x1xi32> to vector<128x640xi32>
    %select_n3A_70 = arith.select %eq3A_66, %broadcast_in_dim3A_69, %select_n3A_63 : vector<128x640xi1>, vector<128x640xi32>
    %eq3A_71 = arith.constant 2 : i32
    %eq3A_72 = vector.broadcast %eq3A_71 : i32 to vector<128x640xi32>
    %eq3A_73 = arith.cmpi eq, %select_n3A, %eq3A_72 : vector<128x640xi32>
    %slice3A_74 = vector.extract_strided_slice %get3A_32 {offsets = [0, 2], sizes = [128, 1], strides = [1, 1]} : vector<128x5xi32> to vector<128x1xi32>
    %broadcast_in_dim3A_75 = vector.shape_cast %slice3A_74 : vector<128x1xi32> to vector<128x1xi32>
    %broadcast_in_dim3A_76 = vector.broadcast %broadcast_in_dim3A_75 : vector<128x1xi32> to vector<128x640xi32>
    %select_n3A_77 = arith.select %eq3A_73, %broadcast_in_dim3A_76, %select_n3A_70 : vector<128x640xi1>, vector<128x640xi32>
    %eq3A_78 = arith.constant 3 : i32
    %eq3A_79 = vector.broadcast %eq3A_78 : i32 to vector<128x640xi32>
    %eq3A_80 = arith.cmpi eq, %select_n3A, %eq3A_79 : vector<128x640xi32>
    %slice3A_81 = vector.extract_strided_slice %get3A_32 {offsets = [0, 3], sizes = [128, 1], strides = [1, 1]} : vector<128x5xi32> to vector<128x1xi32>
    %broadcast_in_dim3A_82 = vector.shape_cast %slice3A_81 : vector<128x1xi32> to vector<128x1xi32>
    %broadcast_in_dim3A_83 = vector.broadcast %broadcast_in_dim3A_82 : vector<128x1xi32> to vector<128x640xi32>
    %select_n3A_84 = arith.select %eq3A_80, %broadcast_in_dim3A_83, %select_n3A_77 : vector<128x640xi1>, vector<128x640xi32>
    %eq3A_85 = arith.constant 4 : i32
    %eq3A_86 = vector.broadcast %eq3A_85 : i32 to vector<128x640xi32>
    %eq3A_87 = arith.cmpi eq, %select_n3A, %eq3A_86 : vector<128x640xi32>
    %slice3A_88 = vector.extract_strided_slice %get3A_32 {offsets = [0, 4], sizes = [128, 1], strides = [1, 1]} : vector<128x5xi32> to vector<128x1xi32>
    %broadcast_in_dim3A_89 = vector.shape_cast %slice3A_88 : vector<128x1xi32> to vector<128x1xi32>
    %broadcast_in_dim3A_90 = vector.broadcast %broadcast_in_dim3A_89 : vector<128x1xi32> to vector<128x640xi32>
    %select_n3A_91 = arith.select %eq3A_87, %broadcast_in_dim3A_90, %select_n3A_84 : vector<128x640xi1>, vector<128x640xi32>
    %mul3A_92 = arith.constant 128 : i32
    %mul3A_93 = vector.broadcast %mul3A_92 : i32 to vector<128x640xi32>
    %mul3A_94 = arith.muli %select_n3A_91, %mul3A_93 : vector<128x640xi32>
    %mul3A_95 = arith.constant 128 : i32
    %mul3A_96 = vector.broadcast %mul3A_95 : i32 to vector<128x640xi32>
    %mul3A_97 = arith.muli %select_n3A, %mul3A_96 : vector<128x640xi32>
    %sub3A_98 = arith.subi %iota3A, %mul3A_97 : vector<128x640xi32>
    %add3A = arith.addi %mul3A_94, %sub3A_98 : vector<128x640xi32>
    %lt3A = arith.constant 100000 : i32
    %lt3A_99 = vector.broadcast %lt3A : i32 to vector<128x640xi32>
    %lt3A_100 = arith.cmpi slt, %add3A, %lt3A_99 : vector<128x640xi32>
    %jit3A_101 = arith.constant -3.000000e+38 : f32
    %broadcast_in_dim3A_102 = vector.broadcast %jit3A_101 : f32 to vector<128x640xf32>
    %select_n3A_103 = arith.select %lt3A_100, %div3A, %broadcast_in_dim3A_102 : vector<128x640xi1>, vector<128x640xf32>
    %reduce_max3A = arith.constant dense<0xFF800000> : vector<128xf32>
    %reduce_max3A_104 = vector.multi_reduction <maximumf>, %select_n3A_103, %reduce_max3A [1] : vector<128x640xf32> to vector<128xf32>
    %broadcast_in_dim3A_105 = vector.shape_cast %reduce_max3A_104 : vector<128xf32> to vector<128x1xf32>
    %eq3A_106 = vector.broadcast %broadcast_in_dim3A_105 : vector<128x1xf32> to vector<128x640xf32>
    %eq3A_107 = arith.cmpf oeq, %select_n3A_103, %eq3A_106 : vector<128x640xf32>
    %jit3A_108 = arith.constant 2147483647 : i32
    %broadcast_in_dim3A_109 = vector.broadcast %jit3A_108 : i32 to vector<128x640xi32>
    %select_n3A_110 = arith.select %eq3A_107, %add3A, %broadcast_in_dim3A_109 : vector<128x640xi1>, vector<128x640xi32>
    %reduce_min3A = arith.constant dense<2147483647> : vector<128xi32>
    %reduce_min3A_111 = vector.multi_reduction <minsi>, %select_n3A_110, %reduce_min3A [1] : vector<128x640xi32> to vector<128xi32>
    %broadcast_in_dim3A_112 = vector.shape_cast %reduce_min3A_111 : vector<128xi32> to vector<128x1xi32>
    %eq3A_113 = vector.broadcast %broadcast_in_dim3A_112 : vector<128x1xi32> to vector<128x640xi32>
    %eq3A_114 = arith.cmpi eq, %add3A, %eq3A_113 : vector<128x640xi32>
    %jit3A_115 = arith.constant -3.000000e+38 : f32
    %broadcast_in_dim3A_116 = vector.broadcast %jit3A_115 : f32 to vector<128x640xf32>
    %select_n3A_117 = arith.select %eq3A_114, %broadcast_in_dim3A_116, %select_n3A_103 : vector<128x640xi1>, vector<128x640xf32>
    %reduce_max3A_118 = arith.constant dense<0xFF800000> : vector<128xf32>
    %reduce_max3A_119 = vector.multi_reduction <maximumf>, %select_n3A_117, %reduce_max3A_118 [1] : vector<128x640xf32> to vector<128xf32>
    %broadcast_in_dim3A_120 = vector.shape_cast %reduce_max3A_119 : vector<128xf32> to vector<128x1xf32>
    %eq3A_121 = vector.broadcast %broadcast_in_dim3A_120 : vector<128x1xf32> to vector<128x640xf32>
    %eq3A_122 = arith.cmpf oeq, %select_n3A_117, %eq3A_121 : vector<128x640xf32>
    %jit3A_123 = arith.constant 2147483647 : i32
    %broadcast_in_dim3A_124 = vector.broadcast %jit3A_123 : i32 to vector<128x640xi32>
    %select_n3A_125 = arith.select %eq3A_122, %add3A, %broadcast_in_dim3A_124 : vector<128x640xi1>, vector<128x640xi32>
    %reduce_min3A_126 = arith.constant dense<2147483647> : vector<128xi32>
    %reduce_min3A_127 = vector.multi_reduction <minsi>, %select_n3A_125, %reduce_min3A_126 [1] : vector<128x640xi32> to vector<128xi32>
    %broadcast_in_dim3A_128 = vector.shape_cast %reduce_min3A_127 : vector<128xi32> to vector<128x1xi32>
    %eq3A_129 = vector.broadcast %broadcast_in_dim3A_128 : vector<128x1xi32> to vector<128x640xi32>
    %eq3A_130 = arith.cmpi eq, %add3A, %eq3A_129 : vector<128x640xi32>
    %jit3A_131 = arith.constant -3.000000e+38 : f32
    %broadcast_in_dim3A_132 = vector.broadcast %jit3A_131 : f32 to vector<128x640xf32>
    %select_n3A_133 = arith.select %eq3A_130, %broadcast_in_dim3A_132, %select_n3A_117 : vector<128x640xi1>, vector<128x640xf32>
    %reduce_max3A_134 = arith.constant dense<0xFF800000> : vector<128xf32>
    %reduce_max3A_135 = vector.multi_reduction <maximumf>, %select_n3A_133, %reduce_max3A_134 [1] : vector<128x640xf32> to vector<128xf32>
    %broadcast_in_dim3A_136 = vector.shape_cast %reduce_max3A_135 : vector<128xf32> to vector<128x1xf32>
    %eq3A_137 = vector.broadcast %broadcast_in_dim3A_136 : vector<128x1xf32> to vector<128x640xf32>
    %eq3A_138 = arith.cmpf oeq, %select_n3A_133, %eq3A_137 : vector<128x640xf32>
    %jit3A_139 = arith.constant 2147483647 : i32
    %broadcast_in_dim3A_140 = vector.broadcast %jit3A_139 : i32 to vector<128x640xi32>
    %select_n3A_141 = arith.select %eq3A_138, %add3A, %broadcast_in_dim3A_140 : vector<128x640xi1>, vector<128x640xi32>
    %reduce_min3A_142 = arith.constant dense<2147483647> : vector<128xi32>
    %reduce_min3A_143 = vector.multi_reduction <minsi>, %select_n3A_141, %reduce_min3A_142 [1] : vector<128x640xi32> to vector<128xi32>
    %broadcast_in_dim3A_144 = vector.shape_cast %reduce_min3A_143 : vector<128xi32> to vector<128x1xi32>
    %eq3A_145 = vector.broadcast %broadcast_in_dim3A_144 : vector<128x1xi32> to vector<128x640xi32>
    %eq3A_146 = arith.cmpi eq, %add3A, %eq3A_145 : vector<128x640xi32>
    %jit3A_147 = arith.constant -3.000000e+38 : f32
    %broadcast_in_dim3A_148 = vector.broadcast %jit3A_147 : f32 to vector<128x640xf32>
    %select_n3A_149 = arith.select %eq3A_146, %broadcast_in_dim3A_148, %select_n3A_133 : vector<128x640xi1>, vector<128x640xf32>
    %reduce_max3A_150 = arith.constant dense<0xFF800000> : vector<128xf32>
    %reduce_max3A_151 = vector.multi_reduction <maximumf>, %select_n3A_149, %reduce_max3A_150 [1] : vector<128x640xf32> to vector<128xf32>
    %broadcast_in_dim3A_152 = vector.shape_cast %reduce_max3A_151 : vector<128xf32> to vector<128x1xf32>
    %eq3A_153 = vector.broadcast %broadcast_in_dim3A_152 : vector<128x1xf32> to vector<128x640xf32>
    %eq3A_154 = arith.cmpf oeq, %select_n3A_149, %eq3A_153 : vector<128x640xf32>
    %jit3A_155 = arith.constant 2147483647 : i32
    %broadcast_in_dim3A_156 = vector.broadcast %jit3A_155 : i32 to vector<128x640xi32>
    %select_n3A_157 = arith.select %eq3A_154, %add3A, %broadcast_in_dim3A_156 : vector<128x640xi1>, vector<128x640xi32>
    %reduce_min3A_158 = arith.constant dense<2147483647> : vector<128xi32>
    %reduce_min3A_159 = vector.multi_reduction <minsi>, %select_n3A_157, %reduce_min3A_158 [1] : vector<128x640xi32> to vector<128xi32>
    %broadcast_in_dim3A_160 = vector.shape_cast %reduce_min3A_159 : vector<128xi32> to vector<128x1xi32>
    %eq3A_161 = vector.broadcast %broadcast_in_dim3A_160 : vector<128x1xi32> to vector<128x640xi32>
    %eq3A_162 = arith.cmpi eq, %add3A, %eq3A_161 : vector<128x640xi32>
    %jit3A_163 = arith.constant -3.000000e+38 : f32
    %broadcast_in_dim3A_164 = vector.broadcast %jit3A_163 : f32 to vector<128x640xf32>
    %select_n3A_165 = arith.select %eq3A_162, %broadcast_in_dim3A_164, %select_n3A_149 : vector<128x640xi1>, vector<128x640xf32>
    %reduce_max3A_166 = arith.constant dense<0xFF800000> : vector<128xf32>
    %reduce_max3A_167 = vector.multi_reduction <maximumf>, %select_n3A_165, %reduce_max3A_166 [1] : vector<128x640xf32> to vector<128xf32>
    %broadcast_in_dim3A_168 = vector.shape_cast %reduce_max3A_167 : vector<128xf32> to vector<128x1xf32>
    %eq3A_169 = vector.broadcast %broadcast_in_dim3A_168 : vector<128x1xf32> to vector<128x640xf32>
    %eq3A_170 = arith.cmpf oeq, %select_n3A_165, %eq3A_169 : vector<128x640xf32>
    %jit3A_171 = arith.constant 2147483647 : i32
    %broadcast_in_dim3A_172 = vector.broadcast %jit3A_171 : i32 to vector<128x640xi32>
    %select_n3A_173 = arith.select %eq3A_170, %add3A, %broadcast_in_dim3A_172 : vector<128x640xi1>, vector<128x640xi32>
    %reduce_min3A_174 = arith.constant dense<2147483647> : vector<128xi32>
    %reduce_min3A_175 = vector.multi_reduction <minsi>, %select_n3A_173, %reduce_min3A_174 [1] : vector<128x640xi32> to vector<128xi32>
    %broadcast_in_dim3A_176 = vector.shape_cast %reduce_min3A_175 : vector<128xi32> to vector<128x1xi32>
    %concatenate3A = tpu.concatenate %broadcast_in_dim3A_105, %broadcast_in_dim3A_120, %broadcast_in_dim3A_136, %broadcast_in_dim3A_152, %broadcast_in_dim3A_168 in 1 : vector<128x1xf32>, vector<128x1xf32>, vector<128x1xf32>, vector<128x1xf32>, vector<128x1xf32> -> vector<128x5xf32>
    %swap3A = arith.constant 0 : index
    %swap3A_177 = arith.constant 0 : index
    %swap3A_178 = vector.load %arg5[%swap3A, %swap3A_177] : memref<128x5xf32, #tpu.memory_space<vmem>>, vector<128x5xf32>
    tpu.vector_store %arg5[%swap3A, %swap3A_177], %concatenate3A {strides = array<i32>} : memref<128x5xf32, #tpu.memory_space<vmem>>, vector<128x5xf32>,
    %concatenate3A_179 = tpu.concatenate %broadcast_in_dim3A_112, %broadcast_in_dim3A_128, %broadcast_in_dim3A_144, %broadcast_in_dim3A_160, %broadcast_in_dim3A_176 in 1 : vector<128x1xi32>, vector<128x1xi32>, vector<128x1xi32>, vector<128x1xi32>, vector<128x1xi32> -> vector<128x5xi32>
    %swap3A_180 = arith.constant 0 : index
    %swap3A_181 = arith.constant 0 : index
    %swap3A_182 = vector.load %arg6[%swap3A_180, %swap3A_181] : memref<128x5xi32, #tpu.memory_space<vmem>>, vector<128x5xi32>
    tpu.vector_store %arg6[%swap3A_180, %swap3A_181], %concatenate3A_179 {strides = array<i32>} : memref<128x5xi32, #tpu.memory_space<vmem>>, vector<128x5xi32>,
    return
  }
  func.func @transform_0(%arg0: i32) -> (i32, i32) {
    %c0_i32 = arith.constant 0 : i32
    %c0_i32_0 = arith.constant 0 : i32
    return %arg0, %c0_i32 : i32, i32
  }
  func.func @transform_1(%arg0: i32) -> (i32, i32) {
    %c0_i32 = arith.constant 0 : i32
    %c0_i32_0 = arith.constant 0 : i32
    return %arg0, %c0_i32 : i32, i32
  }
  func.func @transform_2(%arg0: i32) -> (i32, i32) {
    %c0_i32 = arith.constant 0 : i32
    %c0_i32_0 = arith.constant 0 : i32
    return %arg0, %c0_i32 : i32, i32
  }
  func.func @transform_3(%arg0: i32) -> (i32, i32) {
    %c0_i32 = arith.constant 0 : i32
    %c0_i32_0 = arith.constant 0 : i32
    return %arg0, %c0_i32 : i32, i32
  }
  func.func @transform_4(%arg0: i32) -> (i32, i32) {
    %c0_i32 = arith.constant 0 : i32
    %c0_i32_0 = arith.constant 0 : i32
    return %arg0, %c0_i32 : i32, i32
  }
  func.func @transform_5(%arg0: i32) -> (i32, i32) {
    %c0_i32 = arith.constant 0 : i32
    %c0_i32_0 = arith.constant 0 : i32
    return %arg0, %c0_i32 : i32, i32
  }
}

module attributes {stable_mosaic.version = 14 : i64} {
  func.func @_fuse_kernel(%arg0: memref<1024x5xf32, #tpu.memory_space<vmem>>, %arg1: memref<1024x5xi32, #tpu.memory_space<vmem>>, %arg2: memref<1024x640xf32, #tpu.memory_space<vmem>>, %arg3: memref<1024x16xf32, #tpu.memory_space<vmem>>, %arg4: memref<16x32xf32, #tpu.memory_space<vmem>>, %arg5: memref<16x32xf32, #tpu.memory_space<vmem>>, %arg6: memref<1x32xf32, #tpu.memory_space<vmem>>, %arg7: memref<32x16xf32, #tpu.memory_space<vmem>>, %arg8: memref<1x16xf32, #tpu.memory_space<vmem>>, %arg9: memref<1x16xf32, #tpu.memory_space<vmem>>, %arg10: memref<1x16xf32, #tpu.memory_space<vmem>>, %arg11: memref<1024x16xf32, #tpu.memory_space<vmem>>) attributes {dimension_semantics = [], scalar_prefetch = 0 : i64, scratch_operands = 0 : i64, tpu.core_type = #tpu.core_type<tc>} {
    %get3A = arith.constant 0 : index
    %get3A_0 = arith.constant 0 : index
    %get3A_1 = vector.load %arg0[%get3A, %get3A_0] : memref<1024x5xf32, #tpu.memory_space<vmem>>, vector<1024x5xf32>
    %reduce_max3A = arith.constant dense<0xFF800000> : vector<1024xf32>
    %reduce_max3A_2 = vector.multi_reduction <maximumf>, %get3A_1, %reduce_max3A [1] : vector<1024x5xf32> to vector<1024xf32>
    %broadcast_in_dim3A = vector.shape_cast %reduce_max3A_2 : vector<1024xf32> to vector<1024x1xf32>
    %sub3A = vector.broadcast %broadcast_in_dim3A : vector<1024x1xf32> to vector<1024x5xf32>
    %sub3A_3 = arith.subf %get3A_1, %sub3A : vector<1024x5xf32>
    %exp3A = math.exp %sub3A_3 : vector<1024x5xf32>
    %reduce_sum3A = arith.constant dense<0.000000e+00> : vector<1024xf32>
    %reduce_sum3A_4 = vector.multi_reduction <add>, %exp3A, %reduce_sum3A [1] : vector<1024x5xf32> to vector<1024xf32>
    %broadcast_in_dim3A_5 = vector.shape_cast %reduce_sum3A_4 : vector<1024xf32> to vector<1024x1xf32>
    %div3A = vector.broadcast %broadcast_in_dim3A_5 : vector<1024x1xf32> to vector<1024x5xf32>
    %div3A_6 = arith.divf %exp3A, %div3A : vector<1024x5xf32>
    %get3A_7 = arith.constant 0 : index
    %get3A_8 = arith.constant 0 : index
    %get3A_9 = vector.load %arg2[%get3A_7, %get3A_8] : memref<1024x640xf32, #tpu.memory_space<vmem>>, vector<1024x640xf32>
    %get3A_10 = arith.constant 0 : index
    %get3A_11 = arith.constant 0 : index
    %get3A_12 = vector.load %arg1[%get3A_10, %get3A_11] : memref<1024x5xi32, #tpu.memory_space<vmem>>, vector<1024x5xi32>
    %broadcast_in_dim3A_13 = arith.constant 0.000000e+00 : f32
    %broadcast_in_dim3A_14 = vector.broadcast %broadcast_in_dim3A_13 : f32 to vector<1024x16xf32>
    %slice3A = vector.extract_strided_slice %get3A_12 {offsets = [0, 0], sizes = [1024, 1], strides = [1, 1]} : vector<1024x5xi32> to vector<1024x1xi32>
    %rem3A = arith.constant 8 : i32
    %rem3A_15 = vector.broadcast %rem3A : i32 to vector<1024x1xi32>
    %rem3A_16 = arith.remsi %slice3A, %rem3A_15 : vector<1024x1xi32>
    %broadcast_in_dim3A_17 = arith.constant 0.000000e+00 : f32
    %broadcast_in_dim3A_18 = vector.broadcast %broadcast_in_dim3A_17 : f32 to vector<1024x16xf32>
    %slice3A_19 = vector.extract_strided_slice %get3A_9 {offsets = [0, 0], sizes = [1024, 16], strides = [1, 1]} : vector<1024x640xf32> to vector<1024x16xf32>
    %eq3A = arith.constant 0 : i32
    %eq3A_20 = vector.broadcast %eq3A : i32 to vector<1024x1xi32>
    %eq3A_21 = arith.cmpi eq, %rem3A_16, %eq3A_20 : vector<1024x1xi32>
    %broadcast_in_dim3A_22 = vector.shape_cast %eq3A_21 : vector<1024x1xi1> to vector<1024x1xi1>
    %broadcast_in_dim3A_23 = vector.broadcast %broadcast_in_dim3A_22 : vector<1024x1xi1> to vector<1024x16xi1>
    %select_n3A = arith.select %broadcast_in_dim3A_23, %slice3A_19, %broadcast_in_dim3A_18 : vector<1024x16xi1>, vector<1024x16xf32>
    %slice3A_24 = vector.extract_strided_slice %get3A_9 {offsets = [0, 16], sizes = [1024, 16], strides = [1, 1]} : vector<1024x640xf32> to vector<1024x16xf32>
    %eq3A_25 = arith.constant 1 : i32
    %eq3A_26 = vector.broadcast %eq3A_25 : i32 to vector<1024x1xi32>
    %eq3A_27 = arith.cmpi eq, %rem3A_16, %eq3A_26 : vector<1024x1xi32>
    %broadcast_in_dim3A_28 = vector.shape_cast %eq3A_27 : vector<1024x1xi1> to vector<1024x1xi1>
    %broadcast_in_dim3A_29 = vector.broadcast %broadcast_in_dim3A_28 : vector<1024x1xi1> to vector<1024x16xi1>
    %select_n3A_30 = arith.select %broadcast_in_dim3A_29, %slice3A_24, %select_n3A : vector<1024x16xi1>, vector<1024x16xf32>
    %slice3A_31 = vector.extract_strided_slice %get3A_9 {offsets = [0, 32], sizes = [1024, 16], strides = [1, 1]} : vector<1024x640xf32> to vector<1024x16xf32>
    %eq3A_32 = arith.constant 2 : i32
    %eq3A_33 = vector.broadcast %eq3A_32 : i32 to vector<1024x1xi32>
    %eq3A_34 = arith.cmpi eq, %rem3A_16, %eq3A_33 : vector<1024x1xi32>
    %broadcast_in_dim3A_35 = vector.shape_cast %eq3A_34 : vector<1024x1xi1> to vector<1024x1xi1>
    %broadcast_in_dim3A_36 = vector.broadcast %broadcast_in_dim3A_35 : vector<1024x1xi1> to vector<1024x16xi1>
    %select_n3A_37 = arith.select %broadcast_in_dim3A_36, %slice3A_31, %select_n3A_30 : vector<1024x16xi1>, vector<1024x16xf32>
    %slice3A_38 = vector.extract_strided_slice %get3A_9 {offsets = [0, 48], sizes = [1024, 16], strides = [1, 1]} : vector<1024x640xf32> to vector<1024x16xf32>
    %eq3A_39 = arith.constant 3 : i32
    %eq3A_40 = vector.broadcast %eq3A_39 : i32 to vector<1024x1xi32>
    %eq3A_41 = arith.cmpi eq, %rem3A_16, %eq3A_40 : vector<1024x1xi32>
    %broadcast_in_dim3A_42 = vector.shape_cast %eq3A_41 : vector<1024x1xi1> to vector<1024x1xi1>
    %broadcast_in_dim3A_43 = vector.broadcast %broadcast_in_dim3A_42 : vector<1024x1xi1> to vector<1024x16xi1>
    %select_n3A_44 = arith.select %broadcast_in_dim3A_43, %slice3A_38, %select_n3A_37 : vector<1024x16xi1>, vector<1024x16xf32>
    %slice3A_45 = vector.extract_strided_slice %get3A_9 {offsets = [0, 64], sizes = [1024, 16], strides = [1, 1]} : vector<1024x640xf32> to vector<1024x16xf32>
    %eq3A_46 = arith.constant 4 : i32
    %eq3A_47 = vector.broadcast %eq3A_46 : i32 to vector<1024x1xi32>
    %eq3A_48 = arith.cmpi eq, %rem3A_16, %eq3A_47 : vector<1024x1xi32>
    %broadcast_in_dim3A_49 = vector.shape_cast %eq3A_48 : vector<1024x1xi1> to vector<1024x1xi1>
    %broadcast_in_dim3A_50 = vector.broadcast %broadcast_in_dim3A_49 : vector<1024x1xi1> to vector<1024x16xi1>
    %select_n3A_51 = arith.select %broadcast_in_dim3A_50, %slice3A_45, %select_n3A_44 : vector<1024x16xi1>, vector<1024x16xf32>
    %slice3A_52 = vector.extract_strided_slice %get3A_9 {offsets = [0, 80], sizes = [1024, 16], strides = [1, 1]} : vector<1024x640xf32> to vector<1024x16xf32>
    %eq3A_53 = arith.constant 5 : i32
    %eq3A_54 = vector.broadcast %eq3A_53 : i32 to vector<1024x1xi32>
    %eq3A_55 = arith.cmpi eq, %rem3A_16, %eq3A_54 : vector<1024x1xi32>
    %broadcast_in_dim3A_56 = vector.shape_cast %eq3A_55 : vector<1024x1xi1> to vector<1024x1xi1>
    %broadcast_in_dim3A_57 = vector.broadcast %broadcast_in_dim3A_56 : vector<1024x1xi1> to vector<1024x16xi1>
    %select_n3A_58 = arith.select %broadcast_in_dim3A_57, %slice3A_52, %select_n3A_51 : vector<1024x16xi1>, vector<1024x16xf32>
    %slice3A_59 = vector.extract_strided_slice %get3A_9 {offsets = [0, 96], sizes = [1024, 16], strides = [1, 1]} : vector<1024x640xf32> to vector<1024x16xf32>
    %eq3A_60 = arith.constant 6 : i32
    %eq3A_61 = vector.broadcast %eq3A_60 : i32 to vector<1024x1xi32>
    %eq3A_62 = arith.cmpi eq, %rem3A_16, %eq3A_61 : vector<1024x1xi32>
    %broadcast_in_dim3A_63 = vector.shape_cast %eq3A_62 : vector<1024x1xi1> to vector<1024x1xi1>
    %broadcast_in_dim3A_64 = vector.broadcast %broadcast_in_dim3A_63 : vector<1024x1xi1> to vector<1024x16xi1>
    %select_n3A_65 = arith.select %broadcast_in_dim3A_64, %slice3A_59, %select_n3A_58 : vector<1024x16xi1>, vector<1024x16xf32>
    %slice3A_66 = vector.extract_strided_slice %get3A_9 {offsets = [0, 112], sizes = [1024, 16], strides = [1, 1]} : vector<1024x640xf32> to vector<1024x16xf32>
    %eq3A_67 = arith.constant 7 : i32
    %eq3A_68 = vector.broadcast %eq3A_67 : i32 to vector<1024x1xi32>
    %eq3A_69 = arith.cmpi eq, %rem3A_16, %eq3A_68 : vector<1024x1xi32>
    %broadcast_in_dim3A_70 = vector.shape_cast %eq3A_69 : vector<1024x1xi1> to vector<1024x1xi1>
    %broadcast_in_dim3A_71 = vector.broadcast %broadcast_in_dim3A_70 : vector<1024x1xi1> to vector<1024x16xi1>
    %select_n3A_72 = arith.select %broadcast_in_dim3A_71, %slice3A_66, %select_n3A_65 : vector<1024x16xi1>, vector<1024x16xf32>
    %slice3A_73 = vector.extract_strided_slice %div3A_6 {offsets = [0, 0], sizes = [1024, 1], strides = [1, 1]} : vector<1024x5xf32> to vector<1024x1xf32>
    %mul3A = vector.broadcast %slice3A_73 : vector<1024x1xf32> to vector<1024x16xf32>
    %mul3A_74 = arith.mulf %mul3A, %select_n3A_72 : vector<1024x16xf32>
    %add3A = arith.addf %broadcast_in_dim3A_14, %mul3A_74 : vector<1024x16xf32>
    %slice3A_75 = vector.extract_strided_slice %get3A_12 {offsets = [0, 1], sizes = [1024, 1], strides = [1, 1]} : vector<1024x5xi32> to vector<1024x1xi32>
    %rem3A_76 = arith.constant 8 : i32
    %rem3A_77 = vector.broadcast %rem3A_76 : i32 to vector<1024x1xi32>
    %rem3A_78 = arith.remsi %slice3A_75, %rem3A_77 : vector<1024x1xi32>
    %broadcast_in_dim3A_79 = arith.constant 0.000000e+00 : f32
    %broadcast_in_dim3A_80 = vector.broadcast %broadcast_in_dim3A_79 : f32 to vector<1024x16xf32>
    %slice3A_81 = vector.extract_strided_slice %get3A_9 {offsets = [0, 128], sizes = [1024, 16], strides = [1, 1]} : vector<1024x640xf32> to vector<1024x16xf32>
    %eq3A_82 = arith.constant 0 : i32
    %eq3A_83 = vector.broadcast %eq3A_82 : i32 to vector<1024x1xi32>
    %eq3A_84 = arith.cmpi eq, %rem3A_78, %eq3A_83 : vector<1024x1xi32>
    %broadcast_in_dim3A_85 = vector.shape_cast %eq3A_84 : vector<1024x1xi1> to vector<1024x1xi1>
    %broadcast_in_dim3A_86 = vector.broadcast %broadcast_in_dim3A_85 : vector<1024x1xi1> to vector<1024x16xi1>
    %select_n3A_87 = arith.select %broadcast_in_dim3A_86, %slice3A_81, %broadcast_in_dim3A_80 : vector<1024x16xi1>, vector<1024x16xf32>
    %slice3A_88 = vector.extract_strided_slice %get3A_9 {offsets = [0, 144], sizes = [1024, 16], strides = [1, 1]} : vector<1024x640xf32> to vector<1024x16xf32>
    %eq3A_89 = arith.constant 1 : i32
    %eq3A_90 = vector.broadcast %eq3A_89 : i32 to vector<1024x1xi32>
    %eq3A_91 = arith.cmpi eq, %rem3A_78, %eq3A_90 : vector<1024x1xi32>
    %broadcast_in_dim3A_92 = vector.shape_cast %eq3A_91 : vector<1024x1xi1> to vector<1024x1xi1>
    %broadcast_in_dim3A_93 = vector.broadcast %broadcast_in_dim3A_92 : vector<1024x1xi1> to vector<1024x16xi1>
    %select_n3A_94 = arith.select %broadcast_in_dim3A_93, %slice3A_88, %select_n3A_87 : vector<1024x16xi1>, vector<1024x16xf32>
    %slice3A_95 = vector.extract_strided_slice %get3A_9 {offsets = [0, 160], sizes = [1024, 16], strides = [1, 1]} : vector<1024x640xf32> to vector<1024x16xf32>
    %eq3A_96 = arith.constant 2 : i32
    %eq3A_97 = vector.broadcast %eq3A_96 : i32 to vector<1024x1xi32>
    %eq3A_98 = arith.cmpi eq, %rem3A_78, %eq3A_97 : vector<1024x1xi32>
    %broadcast_in_dim3A_99 = vector.shape_cast %eq3A_98 : vector<1024x1xi1> to vector<1024x1xi1>
    %broadcast_in_dim3A_100 = vector.broadcast %broadcast_in_dim3A_99 : vector<1024x1xi1> to vector<1024x16xi1>
    %select_n3A_101 = arith.select %broadcast_in_dim3A_100, %slice3A_95, %select_n3A_94 : vector<1024x16xi1>, vector<1024x16xf32>
    %slice3A_102 = vector.extract_strided_slice %get3A_9 {offsets = [0, 176], sizes = [1024, 16], strides = [1, 1]} : vector<1024x640xf32> to vector<1024x16xf32>
    %eq3A_103 = arith.constant 3 : i32
    %eq3A_104 = vector.broadcast %eq3A_103 : i32 to vector<1024x1xi32>
    %eq3A_105 = arith.cmpi eq, %rem3A_78, %eq3A_104 : vector<1024x1xi32>
    %broadcast_in_dim3A_106 = vector.shape_cast %eq3A_105 : vector<1024x1xi1> to vector<1024x1xi1>
    %broadcast_in_dim3A_107 = vector.broadcast %broadcast_in_dim3A_106 : vector<1024x1xi1> to vector<1024x16xi1>
    %select_n3A_108 = arith.select %broadcast_in_dim3A_107, %slice3A_102, %select_n3A_101 : vector<1024x16xi1>, vector<1024x16xf32>
    %slice3A_109 = vector.extract_strided_slice %get3A_9 {offsets = [0, 192], sizes = [1024, 16], strides = [1, 1]} : vector<1024x640xf32> to vector<1024x16xf32>
    %eq3A_110 = arith.constant 4 : i32
    %eq3A_111 = vector.broadcast %eq3A_110 : i32 to vector<1024x1xi32>
    %eq3A_112 = arith.cmpi eq, %rem3A_78, %eq3A_111 : vector<1024x1xi32>
    %broadcast_in_dim3A_113 = vector.shape_cast %eq3A_112 : vector<1024x1xi1> to vector<1024x1xi1>
    %broadcast_in_dim3A_114 = vector.broadcast %broadcast_in_dim3A_113 : vector<1024x1xi1> to vector<1024x16xi1>
    %select_n3A_115 = arith.select %broadcast_in_dim3A_114, %slice3A_109, %select_n3A_108 : vector<1024x16xi1>, vector<1024x16xf32>
    %slice3A_116 = vector.extract_strided_slice %get3A_9 {offsets = [0, 208], sizes = [1024, 16], strides = [1, 1]} : vector<1024x640xf32> to vector<1024x16xf32>
    %eq3A_117 = arith.constant 5 : i32
    %eq3A_118 = vector.broadcast %eq3A_117 : i32 to vector<1024x1xi32>
    %eq3A_119 = arith.cmpi eq, %rem3A_78, %eq3A_118 : vector<1024x1xi32>
    %broadcast_in_dim3A_120 = vector.shape_cast %eq3A_119 : vector<1024x1xi1> to vector<1024x1xi1>
    %broadcast_in_dim3A_121 = vector.broadcast %broadcast_in_dim3A_120 : vector<1024x1xi1> to vector<1024x16xi1>
    %select_n3A_122 = arith.select %broadcast_in_dim3A_121, %slice3A_116, %select_n3A_115 : vector<1024x16xi1>, vector<1024x16xf32>
    %slice3A_123 = vector.extract_strided_slice %get3A_9 {offsets = [0, 224], sizes = [1024, 16], strides = [1, 1]} : vector<1024x640xf32> to vector<1024x16xf32>
    %eq3A_124 = arith.constant 6 : i32
    %eq3A_125 = vector.broadcast %eq3A_124 : i32 to vector<1024x1xi32>
    %eq3A_126 = arith.cmpi eq, %rem3A_78, %eq3A_125 : vector<1024x1xi32>
    %broadcast_in_dim3A_127 = vector.shape_cast %eq3A_126 : vector<1024x1xi1> to vector<1024x1xi1>
    %broadcast_in_dim3A_128 = vector.broadcast %broadcast_in_dim3A_127 : vector<1024x1xi1> to vector<1024x16xi1>
    %select_n3A_129 = arith.select %broadcast_in_dim3A_128, %slice3A_123, %select_n3A_122 : vector<1024x16xi1>, vector<1024x16xf32>
    %slice3A_130 = vector.extract_strided_slice %get3A_9 {offsets = [0, 240], sizes = [1024, 16], strides = [1, 1]} : vector<1024x640xf32> to vector<1024x16xf32>
    %eq3A_131 = arith.constant 7 : i32
    %eq3A_132 = vector.broadcast %eq3A_131 : i32 to vector<1024x1xi32>
    %eq3A_133 = arith.cmpi eq, %rem3A_78, %eq3A_132 : vector<1024x1xi32>
    %broadcast_in_dim3A_134 = vector.shape_cast %eq3A_133 : vector<1024x1xi1> to vector<1024x1xi1>
    %broadcast_in_dim3A_135 = vector.broadcast %broadcast_in_dim3A_134 : vector<1024x1xi1> to vector<1024x16xi1>
    %select_n3A_136 = arith.select %broadcast_in_dim3A_135, %slice3A_130, %select_n3A_129 : vector<1024x16xi1>, vector<1024x16xf32>
    %slice3A_137 = vector.extract_strided_slice %div3A_6 {offsets = [0, 1], sizes = [1024, 1], strides = [1, 1]} : vector<1024x5xf32> to vector<1024x1xf32>
    %mul3A_138 = vector.broadcast %slice3A_137 : vector<1024x1xf32> to vector<1024x16xf32>
    %mul3A_139 = arith.mulf %mul3A_138, %select_n3A_136 : vector<1024x16xf32>
    %add3A_140 = arith.addf %add3A, %mul3A_139 : vector<1024x16xf32>
    %slice3A_141 = vector.extract_strided_slice %get3A_12 {offsets = [0, 2], sizes = [1024, 1], strides = [1, 1]} : vector<1024x5xi32> to vector<1024x1xi32>
    %rem3A_142 = arith.constant 8 : i32
    %rem3A_143 = vector.broadcast %rem3A_142 : i32 to vector<1024x1xi32>
    %rem3A_144 = arith.remsi %slice3A_141, %rem3A_143 : vector<1024x1xi32>
    %broadcast_in_dim3A_145 = arith.constant 0.000000e+00 : f32
    %broadcast_in_dim3A_146 = vector.broadcast %broadcast_in_dim3A_145 : f32 to vector<1024x16xf32>
    %slice3A_147 = vector.extract_strided_slice %get3A_9 {offsets = [0, 256], sizes = [1024, 16], strides = [1, 1]} : vector<1024x640xf32> to vector<1024x16xf32>
    %eq3A_148 = arith.constant 0 : i32
    %eq3A_149 = vector.broadcast %eq3A_148 : i32 to vector<1024x1xi32>
    %eq3A_150 = arith.cmpi eq, %rem3A_144, %eq3A_149 : vector<1024x1xi32>
    %broadcast_in_dim3A_151 = vector.shape_cast %eq3A_150 : vector<1024x1xi1> to vector<1024x1xi1>
    %broadcast_in_dim3A_152 = vector.broadcast %broadcast_in_dim3A_151 : vector<1024x1xi1> to vector<1024x16xi1>
    %select_n3A_153 = arith.select %broadcast_in_dim3A_152, %slice3A_147, %broadcast_in_dim3A_146 : vector<1024x16xi1>, vector<1024x16xf32>
    %slice3A_154 = vector.extract_strided_slice %get3A_9 {offsets = [0, 272], sizes = [1024, 16], strides = [1, 1]} : vector<1024x640xf32> to vector<1024x16xf32>
    %eq3A_155 = arith.constant 1 : i32
    %eq3A_156 = vector.broadcast %eq3A_155 : i32 to vector<1024x1xi32>
    %eq3A_157 = arith.cmpi eq, %rem3A_144, %eq3A_156 : vector<1024x1xi32>
    %broadcast_in_dim3A_158 = vector.shape_cast %eq3A_157 : vector<1024x1xi1> to vector<1024x1xi1>
    %broadcast_in_dim3A_159 = vector.broadcast %broadcast_in_dim3A_158 : vector<1024x1xi1> to vector<1024x16xi1>
    %select_n3A_160 = arith.select %broadcast_in_dim3A_159, %slice3A_154, %select_n3A_153 : vector<1024x16xi1>, vector<1024x16xf32>
    %slice3A_161 = vector.extract_strided_slice %get3A_9 {offsets = [0, 288], sizes = [1024, 16], strides = [1, 1]} : vector<1024x640xf32> to vector<1024x16xf32>
    %eq3A_162 = arith.constant 2 : i32
    %eq3A_163 = vector.broadcast %eq3A_162 : i32 to vector<1024x1xi32>
    %eq3A_164 = arith.cmpi eq, %rem3A_144, %eq3A_163 : vector<1024x1xi32>
    %broadcast_in_dim3A_165 = vector.shape_cast %eq3A_164 : vector<1024x1xi1> to vector<1024x1xi1>
    %broadcast_in_dim3A_166 = vector.broadcast %broadcast_in_dim3A_165 : vector<1024x1xi1> to vector<1024x16xi1>
    %select_n3A_167 = arith.select %broadcast_in_dim3A_166, %slice3A_161, %select_n3A_160 : vector<1024x16xi1>, vector<1024x16xf32>
    %slice3A_168 = vector.extract_strided_slice %get3A_9 {offsets = [0, 304], sizes = [1024, 16], strides = [1, 1]} : vector<1024x640xf32> to vector<1024x16xf32>
    %eq3A_169 = arith.constant 3 : i32
    %eq3A_170 = vector.broadcast %eq3A_169 : i32 to vector<1024x1xi32>
    %eq3A_171 = arith.cmpi eq, %rem3A_144, %eq3A_170 : vector<1024x1xi32>
    %broadcast_in_dim3A_172 = vector.shape_cast %eq3A_171 : vector<1024x1xi1> to vector<1024x1xi1>
    %broadcast_in_dim3A_173 = vector.broadcast %broadcast_in_dim3A_172 : vector<1024x1xi1> to vector<1024x16xi1>
    %select_n3A_174 = arith.select %broadcast_in_dim3A_173, %slice3A_168, %select_n3A_167 : vector<1024x16xi1>, vector<1024x16xf32>
    %slice3A_175 = vector.extract_strided_slice %get3A_9 {offsets = [0, 320], sizes = [1024, 16], strides = [1, 1]} : vector<1024x640xf32> to vector<1024x16xf32>
    %eq3A_176 = arith.constant 4 : i32
    %eq3A_177 = vector.broadcast %eq3A_176 : i32 to vector<1024x1xi32>
    %eq3A_178 = arith.cmpi eq, %rem3A_144, %eq3A_177 : vector<1024x1xi32>
    %broadcast_in_dim3A_179 = vector.shape_cast %eq3A_178 : vector<1024x1xi1> to vector<1024x1xi1>
    %broadcast_in_dim3A_180 = vector.broadcast %broadcast_in_dim3A_179 : vector<1024x1xi1> to vector<1024x16xi1>
    %select_n3A_181 = arith.select %broadcast_in_dim3A_180, %slice3A_175, %select_n3A_174 : vector<1024x16xi1>, vector<1024x16xf32>
    %slice3A_182 = vector.extract_strided_slice %get3A_9 {offsets = [0, 336], sizes = [1024, 16], strides = [1, 1]} : vector<1024x640xf32> to vector<1024x16xf32>
    %eq3A_183 = arith.constant 5 : i32
    %eq3A_184 = vector.broadcast %eq3A_183 : i32 to vector<1024x1xi32>
    %eq3A_185 = arith.cmpi eq, %rem3A_144, %eq3A_184 : vector<1024x1xi32>
    %broadcast_in_dim3A_186 = vector.shape_cast %eq3A_185 : vector<1024x1xi1> to vector<1024x1xi1>
    %broadcast_in_dim3A_187 = vector.broadcast %broadcast_in_dim3A_186 : vector<1024x1xi1> to vector<1024x16xi1>
    %select_n3A_188 = arith.select %broadcast_in_dim3A_187, %slice3A_182, %select_n3A_181 : vector<1024x16xi1>, vector<1024x16xf32>
    %slice3A_189 = vector.extract_strided_slice %get3A_9 {offsets = [0, 352], sizes = [1024, 16], strides = [1, 1]} : vector<1024x640xf32> to vector<1024x16xf32>
    %eq3A_190 = arith.constant 6 : i32
    %eq3A_191 = vector.broadcast %eq3A_190 : i32 to vector<1024x1xi32>
    %eq3A_192 = arith.cmpi eq, %rem3A_144, %eq3A_191 : vector<1024x1xi32>
    %broadcast_in_dim3A_193 = vector.shape_cast %eq3A_192 : vector<1024x1xi1> to vector<1024x1xi1>
    %broadcast_in_dim3A_194 = vector.broadcast %broadcast_in_dim3A_193 : vector<1024x1xi1> to vector<1024x16xi1>
    %select_n3A_195 = arith.select %broadcast_in_dim3A_194, %slice3A_189, %select_n3A_188 : vector<1024x16xi1>, vector<1024x16xf32>
    %slice3A_196 = vector.extract_strided_slice %get3A_9 {offsets = [0, 368], sizes = [1024, 16], strides = [1, 1]} : vector<1024x640xf32> to vector<1024x16xf32>
    %eq3A_197 = arith.constant 7 : i32
    %eq3A_198 = vector.broadcast %eq3A_197 : i32 to vector<1024x1xi32>
    %eq3A_199 = arith.cmpi eq, %rem3A_144, %eq3A_198 : vector<1024x1xi32>
    %broadcast_in_dim3A_200 = vector.shape_cast %eq3A_199 : vector<1024x1xi1> to vector<1024x1xi1>
    %broadcast_in_dim3A_201 = vector.broadcast %broadcast_in_dim3A_200 : vector<1024x1xi1> to vector<1024x16xi1>
    %select_n3A_202 = arith.select %broadcast_in_dim3A_201, %slice3A_196, %select_n3A_195 : vector<1024x16xi1>, vector<1024x16xf32>
    %slice3A_203 = vector.extract_strided_slice %div3A_6 {offsets = [0, 2], sizes = [1024, 1], strides = [1, 1]} : vector<1024x5xf32> to vector<1024x1xf32>
    %mul3A_204 = vector.broadcast %slice3A_203 : vector<1024x1xf32> to vector<1024x16xf32>
    %mul3A_205 = arith.mulf %mul3A_204, %select_n3A_202 : vector<1024x16xf32>
    %add3A_206 = arith.addf %add3A_140, %mul3A_205 : vector<1024x16xf32>
    %slice3A_207 = vector.extract_strided_slice %get3A_12 {offsets = [0, 3], sizes = [1024, 1], strides = [1, 1]} : vector<1024x5xi32> to vector<1024x1xi32>
    %rem3A_208 = arith.constant 8 : i32
    %rem3A_209 = vector.broadcast %rem3A_208 : i32 to vector<1024x1xi32>
    %rem3A_210 = arith.remsi %slice3A_207, %rem3A_209 : vector<1024x1xi32>
    %broadcast_in_dim3A_211 = arith.constant 0.000000e+00 : f32
    %broadcast_in_dim3A_212 = vector.broadcast %broadcast_in_dim3A_211 : f32 to vector<1024x16xf32>
    %slice3A_213 = vector.extract_strided_slice %get3A_9 {offsets = [0, 384], sizes = [1024, 16], strides = [1, 1]} : vector<1024x640xf32> to vector<1024x16xf32>
    %eq3A_214 = arith.constant 0 : i32
    %eq3A_215 = vector.broadcast %eq3A_214 : i32 to vector<1024x1xi32>
    %eq3A_216 = arith.cmpi eq, %rem3A_210, %eq3A_215 : vector<1024x1xi32>
    %broadcast_in_dim3A_217 = vector.shape_cast %eq3A_216 : vector<1024x1xi1> to vector<1024x1xi1>
    %broadcast_in_dim3A_218 = vector.broadcast %broadcast_in_dim3A_217 : vector<1024x1xi1> to vector<1024x16xi1>
    %select_n3A_219 = arith.select %broadcast_in_dim3A_218, %slice3A_213, %broadcast_in_dim3A_212 : vector<1024x16xi1>, vector<1024x16xf32>
    %slice3A_220 = vector.extract_strided_slice %get3A_9 {offsets = [0, 400], sizes = [1024, 16], strides = [1, 1]} : vector<1024x640xf32> to vector<1024x16xf32>
    %eq3A_221 = arith.constant 1 : i32
    %eq3A_222 = vector.broadcast %eq3A_221 : i32 to vector<1024x1xi32>
    %eq3A_223 = arith.cmpi eq, %rem3A_210, %eq3A_222 : vector<1024x1xi32>
    %broadcast_in_dim3A_224 = vector.shape_cast %eq3A_223 : vector<1024x1xi1> to vector<1024x1xi1>
    %broadcast_in_dim3A_225 = vector.broadcast %broadcast_in_dim3A_224 : vector<1024x1xi1> to vector<1024x16xi1>
    %select_n3A_226 = arith.select %broadcast_in_dim3A_225, %slice3A_220, %select_n3A_219 : vector<1024x16xi1>, vector<1024x16xf32>
    %slice3A_227 = vector.extract_strided_slice %get3A_9 {offsets = [0, 416], sizes = [1024, 16], strides = [1, 1]} : vector<1024x640xf32> to vector<1024x16xf32>
    %eq3A_228 = arith.constant 2 : i32
    %eq3A_229 = vector.broadcast %eq3A_228 : i32 to vector<1024x1xi32>
    %eq3A_230 = arith.cmpi eq, %rem3A_210, %eq3A_229 : vector<1024x1xi32>
    %broadcast_in_dim3A_231 = vector.shape_cast %eq3A_230 : vector<1024x1xi1> to vector<1024x1xi1>
    %broadcast_in_dim3A_232 = vector.broadcast %broadcast_in_dim3A_231 : vector<1024x1xi1> to vector<1024x16xi1>
    %select_n3A_233 = arith.select %broadcast_in_dim3A_232, %slice3A_227, %select_n3A_226 : vector<1024x16xi1>, vector<1024x16xf32>
    %slice3A_234 = vector.extract_strided_slice %get3A_9 {offsets = [0, 432], sizes = [1024, 16], strides = [1, 1]} : vector<1024x640xf32> to vector<1024x16xf32>
    %eq3A_235 = arith.constant 3 : i32
    %eq3A_236 = vector.broadcast %eq3A_235 : i32 to vector<1024x1xi32>
    %eq3A_237 = arith.cmpi eq, %rem3A_210, %eq3A_236 : vector<1024x1xi32>
    %broadcast_in_dim3A_238 = vector.shape_cast %eq3A_237 : vector<1024x1xi1> to vector<1024x1xi1>
    %broadcast_in_dim3A_239 = vector.broadcast %broadcast_in_dim3A_238 : vector<1024x1xi1> to vector<1024x16xi1>
    %select_n3A_240 = arith.select %broadcast_in_dim3A_239, %slice3A_234, %select_n3A_233 : vector<1024x16xi1>, vector<1024x16xf32>
    %slice3A_241 = vector.extract_strided_slice %get3A_9 {offsets = [0, 448], sizes = [1024, 16], strides = [1, 1]} : vector<1024x640xf32> to vector<1024x16xf32>
    %eq3A_242 = arith.constant 4 : i32
    %eq3A_243 = vector.broadcast %eq3A_242 : i32 to vector<1024x1xi32>
    %eq3A_244 = arith.cmpi eq, %rem3A_210, %eq3A_243 : vector<1024x1xi32>
    %broadcast_in_dim3A_245 = vector.shape_cast %eq3A_244 : vector<1024x1xi1> to vector<1024x1xi1>
    %broadcast_in_dim3A_246 = vector.broadcast %broadcast_in_dim3A_245 : vector<1024x1xi1> to vector<1024x16xi1>
    %select_n3A_247 = arith.select %broadcast_in_dim3A_246, %slice3A_241, %select_n3A_240 : vector<1024x16xi1>, vector<1024x16xf32>
    %slice3A_248 = vector.extract_strided_slice %get3A_9 {offsets = [0, 464], sizes = [1024, 16], strides = [1, 1]} : vector<1024x640xf32> to vector<1024x16xf32>
    %eq3A_249 = arith.constant 5 : i32
    %eq3A_250 = vector.broadcast %eq3A_249 : i32 to vector<1024x1xi32>
    %eq3A_251 = arith.cmpi eq, %rem3A_210, %eq3A_250 : vector<1024x1xi32>
    %broadcast_in_dim3A_252 = vector.shape_cast %eq3A_251 : vector<1024x1xi1> to vector<1024x1xi1>
    %broadcast_in_dim3A_253 = vector.broadcast %broadcast_in_dim3A_252 : vector<1024x1xi1> to vector<1024x16xi1>
    %select_n3A_254 = arith.select %broadcast_in_dim3A_253, %slice3A_248, %select_n3A_247 : vector<1024x16xi1>, vector<1024x16xf32>
    %slice3A_255 = vector.extract_strided_slice %get3A_9 {offsets = [0, 480], sizes = [1024, 16], strides = [1, 1]} : vector<1024x640xf32> to vector<1024x16xf32>
    %eq3A_256 = arith.constant 6 : i32
    %eq3A_257 = vector.broadcast %eq3A_256 : i32 to vector<1024x1xi32>
    %eq3A_258 = arith.cmpi eq, %rem3A_210, %eq3A_257 : vector<1024x1xi32>
    %broadcast_in_dim3A_259 = vector.shape_cast %eq3A_258 : vector<1024x1xi1> to vector<1024x1xi1>
    %broadcast_in_dim3A_260 = vector.broadcast %broadcast_in_dim3A_259 : vector<1024x1xi1> to vector<1024x16xi1>
    %select_n3A_261 = arith.select %broadcast_in_dim3A_260, %slice3A_255, %select_n3A_254 : vector<1024x16xi1>, vector<1024x16xf32>
    %slice3A_262 = vector.extract_strided_slice %get3A_9 {offsets = [0, 496], sizes = [1024, 16], strides = [1, 1]} : vector<1024x640xf32> to vector<1024x16xf32>
    %eq3A_263 = arith.constant 7 : i32
    %eq3A_264 = vector.broadcast %eq3A_263 : i32 to vector<1024x1xi32>
    %eq3A_265 = arith.cmpi eq, %rem3A_210, %eq3A_264 : vector<1024x1xi32>
    %broadcast_in_dim3A_266 = vector.shape_cast %eq3A_265 : vector<1024x1xi1> to vector<1024x1xi1>
    %broadcast_in_dim3A_267 = vector.broadcast %broadcast_in_dim3A_266 : vector<1024x1xi1> to vector<1024x16xi1>
    %select_n3A_268 = arith.select %broadcast_in_dim3A_267, %slice3A_262, %select_n3A_261 : vector<1024x16xi1>, vector<1024x16xf32>
    %slice3A_269 = vector.extract_strided_slice %div3A_6 {offsets = [0, 3], sizes = [1024, 1], strides = [1, 1]} : vector<1024x5xf32> to vector<1024x1xf32>
    %mul3A_270 = vector.broadcast %slice3A_269 : vector<1024x1xf32> to vector<1024x16xf32>
    %mul3A_271 = arith.mulf %mul3A_270, %select_n3A_268 : vector<1024x16xf32>
    %add3A_272 = arith.addf %add3A_206, %mul3A_271 : vector<1024x16xf32>
    %slice3A_273 = vector.extract_strided_slice %get3A_12 {offsets = [0, 4], sizes = [1024, 1], strides = [1, 1]} : vector<1024x5xi32> to vector<1024x1xi32>
    %rem3A_274 = arith.constant 8 : i32
    %rem3A_275 = vector.broadcast %rem3A_274 : i32 to vector<1024x1xi32>
    %rem3A_276 = arith.remsi %slice3A_273, %rem3A_275 : vector<1024x1xi32>
    %broadcast_in_dim3A_277 = arith.constant 0.000000e+00 : f32
    %broadcast_in_dim3A_278 = vector.broadcast %broadcast_in_dim3A_277 : f32 to vector<1024x16xf32>
    %slice3A_279 = vector.extract_strided_slice %get3A_9 {offsets = [0, 512], sizes = [1024, 16], strides = [1, 1]} : vector<1024x640xf32> to vector<1024x16xf32>
    %eq3A_280 = arith.constant 0 : i32
    %eq3A_281 = vector.broadcast %eq3A_280 : i32 to vector<1024x1xi32>
    %eq3A_282 = arith.cmpi eq, %rem3A_276, %eq3A_281 : vector<1024x1xi32>
    %broadcast_in_dim3A_283 = vector.shape_cast %eq3A_282 : vector<1024x1xi1> to vector<1024x1xi1>
    %broadcast_in_dim3A_284 = vector.broadcast %broadcast_in_dim3A_283 : vector<1024x1xi1> to vector<1024x16xi1>
    %select_n3A_285 = arith.select %broadcast_in_dim3A_284, %slice3A_279, %broadcast_in_dim3A_278 : vector<1024x16xi1>, vector<1024x16xf32>
    %slice3A_286 = vector.extract_strided_slice %get3A_9 {offsets = [0, 528], sizes = [1024, 16], strides = [1, 1]} : vector<1024x640xf32> to vector<1024x16xf32>
    %eq3A_287 = arith.constant 1 : i32
    %eq3A_288 = vector.broadcast %eq3A_287 : i32 to vector<1024x1xi32>
    %eq3A_289 = arith.cmpi eq, %rem3A_276, %eq3A_288 : vector<1024x1xi32>
    %broadcast_in_dim3A_290 = vector.shape_cast %eq3A_289 : vector<1024x1xi1> to vector<1024x1xi1>
    %broadcast_in_dim3A_291 = vector.broadcast %broadcast_in_dim3A_290 : vector<1024x1xi1> to vector<1024x16xi1>
    %select_n3A_292 = arith.select %broadcast_in_dim3A_291, %slice3A_286, %select_n3A_285 : vector<1024x16xi1>, vector<1024x16xf32>
    %slice3A_293 = vector.extract_strided_slice %get3A_9 {offsets = [0, 544], sizes = [1024, 16], strides = [1, 1]} : vector<1024x640xf32> to vector<1024x16xf32>
    %eq3A_294 = arith.constant 2 : i32
    %eq3A_295 = vector.broadcast %eq3A_294 : i32 to vector<1024x1xi32>
    %eq3A_296 = arith.cmpi eq, %rem3A_276, %eq3A_295 : vector<1024x1xi32>
    %broadcast_in_dim3A_297 = vector.shape_cast %eq3A_296 : vector<1024x1xi1> to vector<1024x1xi1>
    %broadcast_in_dim3A_298 = vector.broadcast %broadcast_in_dim3A_297 : vector<1024x1xi1> to vector<1024x16xi1>
    %select_n3A_299 = arith.select %broadcast_in_dim3A_298, %slice3A_293, %select_n3A_292 : vector<1024x16xi1>, vector<1024x16xf32>
    %slice3A_300 = vector.extract_strided_slice %get3A_9 {offsets = [0, 560], sizes = [1024, 16], strides = [1, 1]} : vector<1024x640xf32> to vector<1024x16xf32>
    %eq3A_301 = arith.constant 3 : i32
    %eq3A_302 = vector.broadcast %eq3A_301 : i32 to vector<1024x1xi32>
    %eq3A_303 = arith.cmpi eq, %rem3A_276, %eq3A_302 : vector<1024x1xi32>
    %broadcast_in_dim3A_304 = vector.shape_cast %eq3A_303 : vector<1024x1xi1> to vector<1024x1xi1>
    %broadcast_in_dim3A_305 = vector.broadcast %broadcast_in_dim3A_304 : vector<1024x1xi1> to vector<1024x16xi1>
    %select_n3A_306 = arith.select %broadcast_in_dim3A_305, %slice3A_300, %select_n3A_299 : vector<1024x16xi1>, vector<1024x16xf32>
    %slice3A_307 = vector.extract_strided_slice %get3A_9 {offsets = [0, 576], sizes = [1024, 16], strides = [1, 1]} : vector<1024x640xf32> to vector<1024x16xf32>
    %eq3A_308 = arith.constant 4 : i32
    %eq3A_309 = vector.broadcast %eq3A_308 : i32 to vector<1024x1xi32>
    %eq3A_310 = arith.cmpi eq, %rem3A_276, %eq3A_309 : vector<1024x1xi32>
    %broadcast_in_dim3A_311 = vector.shape_cast %eq3A_310 : vector<1024x1xi1> to vector<1024x1xi1>
    %broadcast_in_dim3A_312 = vector.broadcast %broadcast_in_dim3A_311 : vector<1024x1xi1> to vector<1024x16xi1>
    %select_n3A_313 = arith.select %broadcast_in_dim3A_312, %slice3A_307, %select_n3A_306 : vector<1024x16xi1>, vector<1024x16xf32>
    %slice3A_314 = vector.extract_strided_slice %get3A_9 {offsets = [0, 592], sizes = [1024, 16], strides = [1, 1]} : vector<1024x640xf32> to vector<1024x16xf32>
    %eq3A_315 = arith.constant 5 : i32
    %eq3A_316 = vector.broadcast %eq3A_315 : i32 to vector<1024x1xi32>
    %eq3A_317 = arith.cmpi eq, %rem3A_276, %eq3A_316 : vector<1024x1xi32>
    %broadcast_in_dim3A_318 = vector.shape_cast %eq3A_317 : vector<1024x1xi1> to vector<1024x1xi1>
    %broadcast_in_dim3A_319 = vector.broadcast %broadcast_in_dim3A_318 : vector<1024x1xi1> to vector<1024x16xi1>
    %select_n3A_320 = arith.select %broadcast_in_dim3A_319, %slice3A_314, %select_n3A_313 : vector<1024x16xi1>, vector<1024x16xf32>
    %slice3A_321 = vector.extract_strided_slice %get3A_9 {offsets = [0, 608], sizes = [1024, 16], strides = [1, 1]} : vector<1024x640xf32> to vector<1024x16xf32>
    %eq3A_322 = arith.constant 6 : i32
    %eq3A_323 = vector.broadcast %eq3A_322 : i32 to vector<1024x1xi32>
    %eq3A_324 = arith.cmpi eq, %rem3A_276, %eq3A_323 : vector<1024x1xi32>
    %broadcast_in_dim3A_325 = vector.shape_cast %eq3A_324 : vector<1024x1xi1> to vector<1024x1xi1>
    %broadcast_in_dim3A_326 = vector.broadcast %broadcast_in_dim3A_325 : vector<1024x1xi1> to vector<1024x16xi1>
    %select_n3A_327 = arith.select %broadcast_in_dim3A_326, %slice3A_321, %select_n3A_320 : vector<1024x16xi1>, vector<1024x16xf32>
    %slice3A_328 = vector.extract_strided_slice %get3A_9 {offsets = [0, 624], sizes = [1024, 16], strides = [1, 1]} : vector<1024x640xf32> to vector<1024x16xf32>
    %eq3A_329 = arith.constant 7 : i32
    %eq3A_330 = vector.broadcast %eq3A_329 : i32 to vector<1024x1xi32>
    %eq3A_331 = arith.cmpi eq, %rem3A_276, %eq3A_330 : vector<1024x1xi32>
    %broadcast_in_dim3A_332 = vector.shape_cast %eq3A_331 : vector<1024x1xi1> to vector<1024x1xi1>
    %broadcast_in_dim3A_333 = vector.broadcast %broadcast_in_dim3A_332 : vector<1024x1xi1> to vector<1024x16xi1>
    %select_n3A_334 = arith.select %broadcast_in_dim3A_333, %slice3A_328, %select_n3A_327 : vector<1024x16xi1>, vector<1024x16xf32>
    %slice3A_335 = vector.extract_strided_slice %div3A_6 {offsets = [0, 4], sizes = [1024, 1], strides = [1, 1]} : vector<1024x5xf32> to vector<1024x1xf32>
    %mul3A_336 = vector.broadcast %slice3A_335 : vector<1024x1xf32> to vector<1024x16xf32>
    %mul3A_337 = arith.mulf %mul3A_336, %select_n3A_334 : vector<1024x16xf32>
    %add3A_338 = arith.addf %add3A_272, %mul3A_337 : vector<1024x16xf32>
    %get3A_339 = arith.constant 0 : index
    %get3A_340 = arith.constant 0 : index
    %get3A_341 = vector.load %arg3[%get3A_339, %get3A_340] : memref<1024x16xf32, #tpu.memory_space<vmem>>, vector<1024x16xf32>
    %get3A_342 = arith.constant 0 : index
    %get3A_343 = arith.constant 0 : index
    %get3A_344 = vector.load %arg4[%get3A_342, %get3A_343] : memref<16x32xf32, #tpu.memory_space<vmem>>, vector<16x32xf32>
    %dot_general3A = arith.constant dense<0.000000e+00> : vector<1024x32xf32>
    %dot_general3A_345 = tpu.matmul %get3A_341, %get3A_344, %dot_general3A {dimension_numbers = #tpu.dot_dimension_numbers<[1], [0], [0], [1], [0, 0, 1, 1], [], []>, precision = #tpu.contract_precision<fp32>, transpose_lhs_hint = false} : vector<1024x16xf32>, vector<16x32xf32>, vector<1024x32xf32> -> vector<1024x32xf32>
    %get3A_346 = arith.constant 0 : index
    %get3A_347 = arith.constant 0 : index
    %get3A_348 = vector.load %arg5[%get3A_346, %get3A_347] : memref<16x32xf32, #tpu.memory_space<vmem>>, vector<16x32xf32>
    %dot_general3A_349 = arith.constant dense<0.000000e+00> : vector<1024x32xf32>
    %dot_general3A_350 = tpu.matmul %add3A_338, %get3A_348, %dot_general3A_349 {dimension_numbers = #tpu.dot_dimension_numbers<[1], [0], [0], [1], [0, 0, 1, 1], [], []>, precision = #tpu.contract_precision<fp32>, transpose_lhs_hint = false} : vector<1024x16xf32>, vector<16x32xf32>, vector<1024x32xf32> -> vector<1024x32xf32>
    %add3A_351 = arith.addf %dot_general3A_345, %dot_general3A_350 : vector<1024x32xf32>
    %get3A_352 = arith.constant 0 : index
    %get3A_353 = arith.constant 0 : index
    %get3A_354 = vector.load %arg6[%get3A_352, %get3A_353] : memref<1x32xf32, #tpu.memory_space<vmem>>, vector<1x32xf32>
    %add3A_355 = vector.broadcast %get3A_354 : vector<1x32xf32> to vector<1024x32xf32>
    %add3A_356 = arith.addf %add3A_351, %add3A_355 : vector<1024x32xf32>
    %max3A = arith.constant 0.000000e+00 : f32
    %max3A_357 = vector.broadcast %max3A : f32 to vector<1024x32xf32>
    %max3A_358 = arith.maximumf %add3A_356, %max3A_357 : vector<1024x32xf32>
    %get3A_359 = arith.constant 0 : index
    %get3A_360 = arith.constant 0 : index
    %get3A_361 = vector.load %arg7[%get3A_359, %get3A_360] : memref<32x16xf32, #tpu.memory_space<vmem>>, vector<32x16xf32>
    %dot_general3A_362 = arith.constant dense<0.000000e+00> : vector<1024x16xf32>
    %dot_general3A_363 = tpu.matmul %max3A_358, %get3A_361, %dot_general3A_362 {dimension_numbers = #tpu.dot_dimension_numbers<[1], [0], [0], [1], [0, 0, 1, 1], [], []>, precision = #tpu.contract_precision<fp32>, transpose_lhs_hint = false} : vector<1024x32xf32>, vector<32x16xf32>, vector<1024x16xf32> -> vector<1024x16xf32>
    %get3A_364 = arith.constant 0 : index
    %get3A_365 = arith.constant 0 : index
    %get3A_366 = vector.load %arg8[%get3A_364, %get3A_365] : memref<1x16xf32, #tpu.memory_space<vmem>>, vector<1x16xf32>
    %add3A_367 = vector.broadcast %get3A_366 : vector<1x16xf32> to vector<1024x16xf32>
    %add3A_368 = arith.addf %dot_general3A_363, %add3A_367 : vector<1024x16xf32>
    %reduce_sum3A_369 = arith.constant dense<0.000000e+00> : vector<1024xf32>
    %reduce_sum3A_370 = vector.multi_reduction <add>, %add3A_368, %reduce_sum3A_369 [1] : vector<1024x16xf32> to vector<1024xf32>
    %broadcast_in_dim3A_371 = vector.shape_cast %reduce_sum3A_370 : vector<1024xf32> to vector<1024x1xf32>
    %div3A_372 = arith.constant 1.600000e+01 : f32
    %div3A_373 = vector.broadcast %div3A_372 : f32 to vector<1024x1xf32>
    %div3A_374 = arith.divf %broadcast_in_dim3A_371, %div3A_373 : vector<1024x1xf32>
    %sub3A_375 = vector.broadcast %div3A_374 : vector<1024x1xf32> to vector<1024x16xf32>
    %sub3A_376 = arith.subf %add3A_368, %sub3A_375 : vector<1024x16xf32>
    %integer_pow3A = arith.mulf %sub3A_376, %sub3A_376 : vector<1024x16xf32>
    %reduce_sum3A_377 = arith.constant dense<0.000000e+00> : vector<1024xf32>
    %reduce_sum3A_378 = vector.multi_reduction <add>, %integer_pow3A, %reduce_sum3A_377 [1] : vector<1024x16xf32> to vector<1024xf32>
    %broadcast_in_dim3A_379 = vector.shape_cast %reduce_sum3A_378 : vector<1024xf32> to vector<1024x1xf32>
    %div3A_380 = arith.constant 1.600000e+01 : f32
    %div3A_381 = vector.broadcast %div3A_380 : f32 to vector<1024x1xf32>
    %div3A_382 = arith.divf %broadcast_in_dim3A_379, %div3A_381 : vector<1024x1xf32>
    %sub3A_383 = vector.broadcast %div3A_374 : vector<1024x1xf32> to vector<1024x16xf32>
    %sub3A_384 = arith.subf %add3A_368, %sub3A_383 : vector<1024x16xf32>
    %add3A_385 = arith.constant 9.99999974E-6 : f32
    %add3A_386 = vector.broadcast %add3A_385 : f32 to vector<1024x1xf32>
    %add3A_387 = arith.addf %div3A_382, %add3A_386 : vector<1024x1xf32>
    %sqrt3A = math.sqrt %add3A_387 : vector<1024x1xf32>
    %div3A_388 = vector.broadcast %sqrt3A : vector<1024x1xf32> to vector<1024x16xf32>
    %div3A_389 = arith.divf %sub3A_384, %div3A_388 : vector<1024x16xf32>
    %get3A_390 = arith.constant 0 : index
    %get3A_391 = arith.constant 0 : index
    %get3A_392 = vector.load %arg9[%get3A_390, %get3A_391] : memref<1x16xf32, #tpu.memory_space<vmem>>, vector<1x16xf32>
    %mul3A_393 = vector.broadcast %get3A_392 : vector<1x16xf32> to vector<1024x16xf32>
    %mul3A_394 = arith.mulf %div3A_389, %mul3A_393 : vector<1024x16xf32>
    %get3A_395 = arith.constant 0 : index
    %get3A_396 = arith.constant 0 : index
    %get3A_397 = vector.load %arg10[%get3A_395, %get3A_396] : memref<1x16xf32, #tpu.memory_space<vmem>>, vector<1x16xf32>
    %add3A_398 = vector.broadcast %get3A_397 : vector<1x16xf32> to vector<1024x16xf32>
    %add3A_399 = arith.addf %mul3A_394, %add3A_398 : vector<1024x16xf32>
    %swap3A = arith.constant 0 : index
    %swap3A_400 = arith.constant 0 : index
    %swap3A_401 = vector.load %arg11[%swap3A, %swap3A_400] : memref<1024x16xf32, #tpu.memory_space<vmem>>, vector<1024x16xf32>
    tpu.vector_store %arg11[%swap3A, %swap3A_400], %add3A_399 {strides = array<i32>} : memref<1024x16xf32, #tpu.memory_space<vmem>>, vector<1024x16xf32>,
    return
  }
}

</mosaic_0001>

<sc_bundles>
// kernel: kernel.12.cloned.1.call-start
scs
__scs_entry_jumppad:
0x0: {  	(pc) =	sbr.rel $0x88, $3  }
0x1: {  	(tag) =	ssettag $0x0;
	lr =	simm.s32 $0x1  }
0x2: {  	[smem:$0x3F99] =	sst lr;
	_ =	strace $0xD0000000  }
0x3: {  	_ = 	snop  }
0x4: {  	_ = 	snop  }
0x5: {  	_ = 	snop  }
0x6: {  	_ = 	snop  }
0x7: {  	_ = 	snop  }
__scs_overlays_trampoline_lowered:
0x8: {  	[smem:$0x3FA8] =	sst s0  }
0x9: {  	[smem:$0x3FA9] =	sst s1  }
0xa: {  	[smem:$0x3FAA] =	sst s2  }
0xb: {  	[smem:$0x3FAB] =	sst s3  }
0xc: {  	[smem:$0x3FAC] =	sst s4  }
0xd: {  	[smem:$0x3FAD] =	sst s5  }
0xe: {  	[smem:$0x3FAE] =	sst s6  }
0xf: {  	[smem:$0x3FAF] =	sst s7  }
0x10: {  	[smem:$0x3FB0] =	sst s8  }
0x11: {  	[smem:$0x3FB1] =	sst s9;
	s0 =	simm.s32 @!p0 $0x0  }
0x12: {  	s1 =	sld [smem:$0x3F97];
	s0 =	simm.s32 @p0 $0x1  }
0x13: {  	[smem:$0x3FB2] =	sst s0;
	s0 =	simm.s32 @!p1 $0x0  }
0x14: {  	s2 =	sld [smem:$0x3F96];
	s0 =	simm.s32 @p1 $0x1  }
0x15: {  	[smem:$0x3FB3] =	sst s0;
	s0 =	simm.s32 @!p2 $0x0  }
0x16: {  	s3 =	sld [smem:$0x3FDB];
	s0 =	simm.s32 @p2 $0x1  }
0x17: {  	s4 =	simm.s32 $0x1BF5;
	[smem:$0x3FB5] =	sst s0  }
0x18: {  	s0 =	sld [smem:$0x3F98];
	_ =	swait.ge [sflag:s4], $0x0  }
0x19: {  	s7 =	sld [smem:$0x3F99]  }
0x1a: {  	s8 =	sadd.s32 $0xFFFFE003, lr  }
0x1b: {  	s9 =	sadd.s32 $0xFFFFFEF7, lr;
	s5 =	simm.s32 $0xFFFFFFFF;
	p2 =	slt.u32 s8, $0xFFFFF086  }
0x1c: {  	p1 =	slt.u32 s9, $0xF7A;
	s5 =	simm.s32 @!p2 $0x0  }
0x1d: {  	s5 =	simm.s32 @p1 $0x1;
	p0 =	seq.s32 s7, s2  }
0x1e: {  	s7 =	smul.u32 @!p0 $0xF7A, s2;
	p2 =	seq.s32 @!p0 s5, $0x0  }
0x1f: {  	s9 =	smul.u32 $0xF7A, s1;
	s8 =	simm.s32 @!p0 $0x1BF5;
	p2 =	por !p2, p0  }
0x20: {  	[sflag:s8] =	ssyncset.s32 @!p0 $0xFFFFF086;
	s6 =	sadd.s32 @!p0 s3, s7;
	s7 =	simm.s32 @!p0 $0x108  }
0x21: {  	s3 =	sadd.s32 s3, s9;
	s6 =	sadd.s32 @!p0 $0x88, s6;
	s7 =	simm.s32 @p2 $0x1082  }
0x22: {  	[simem:s7], [sflag:s8] =	dma.local @!p0 [hbm:s6], $0xF7A  }
0x23: {  	s9 =	sor.u32 $0xD0000000, s2;
	s6 =	simm.s32 $0x108;
	_ =	swait.ge @!p0 [sflag:s8], $0x0  }
0x24: {  	s3 =	sadd.s32 $0x88, s3;
	s6 =	simm.s32 @!p1 $0x1082;
	[sflag:s4] =	ssyncset.s32 $0xFFFFF086  }
0x25: {  	[simem:s6], [sflag:s4] =	dma.local [hbm:s3], $0xF7A  }
0x26: {  	[smem:$0x3F99] =	sst s1;
	(tag) =	ssettag s2;
	_ =	strace s9  }
0x27: {  	s1 =	sld [smem:$0x3FA9]  }
0x28: {  	s2 =	sld [smem:$0x3FAA]  }
0x29: {  	s4 =	sld [smem:$0x3FAC]  }
0x2a: {  	p0 =	seq.s32 s5, $0x0;
	s5 =	sld [smem:$0x3FAD]  }
0x2b: {  	s6 =	sld [smem:$0x3FAE]  }
0x2c: {  	s7 =	sld [smem:$0x3FAF]  }
0x2d: {  	s3 =	simm.s32 $0x108;
	s8 =	sld [smem:$0x3FB0]  }
0x2e: {  	s3 =	simm.s32 @!p0 $0x1082;
	s9 =	sld [smem:$0x3FB1]  }
0x2f: {  	lr =	sadd.s32 s0, s3;
	s0 =	sld [smem:$0x3FA8]  }
0x30: {  	s3 =	sld [smem:$0x3FAB]  }
0x31: {  	[smem:$0x3FB4] =	sst s10  }
0x32: {  	s10 =	sld [smem:$0x3FB2];
	_ =	sdelay $0x3  }
0x33: {  	p0 =	seq.s32 s10, $0x1;
	s10 =	sld [smem:$0x3FB4];
	_ =	sdelay $0x3  }
0x34: {  	[smem:$0x3FB4] =	sst s10  }
0x35: {  	s10 =	sld [smem:$0x3FB3];
	_ =	sdelay $0x3  }
0x36: {  	p1 =	seq.s32 s10, $0x1;
	s10 =	sld [smem:$0x3FB4];
	_ =	sdelay $0x3  }
0x37: {  	[smem:$0x3FB4] =	sst s10  }
0x38: {  	s10 =	sld [smem:$0x3FB5]  }
0x39: {  	_ = 	snop;
	(pc) =	sbr.ind lr, $3  }
0x3a: {  	_ = 	snop  }
0x3b: {  	_ = 	snop  }
0x3c: {  	p2 =	seq.s32 s10, $0x1;
	s10 =	sld [smem:$0x3FB4]  }
0x3d: {  	_ =	shalt  }
0x3e: {  	_ =	shalt  }
0x3f: {  	_ =	shalt  }
0x40: {  	_ =	shalt  }
0x41: {  	_ =	shalt  }
0x42: {  	_ =	shalt  }
0x43: {  	_ =	shalt  }
0x44: {  	_ =	shalt  }
0x45: {  	_ =	shalt  }
0x46: {  	_ =	shalt  }
0x47: {  	_ =	shalt  }
0x48: {  	_ =	shalt  }
0x49: {  	_ =	shalt  }
0x4a: {  	_ =	shalt  }
0x4b: {  	_ =	shalt  }
0x4c: {  	_ =	shalt  }
0x4d: {  	_ =	shalt  }
0x4e: {  	_ =	shalt  }
0x4f: {  	_ =	shalt  }
0x50: {  	_ =	shalt  }
0x51: {  	_ =	shalt  }
0x52: {  	_ =	shalt  }
0x53: {  	_ =	shalt  }
0x54: {  	_ =	shalt  }
0x55: {  	_ =	shalt  }
0x56: {  	_ =	shalt  }
0x57: {  	_ =	shalt  }
0x58: {  	_ =	shalt  }
0x59: {  	_ =	shalt  }
0x5a: {  	_ =	shalt  }
0x5b: {  	_ =	shalt  }
0x5c: {  	_ =	shalt  }
0x5d: {  	_ =	shalt  }
0x5e: {  	_ =	shalt  }
0x5f: {  	_ =	shalt  }
0x60: {  	_ =	shalt  }
0x61: {  	_ =	shalt  }
0x62: {  	_ =	shalt  }
0x63: {  	_ =	shalt  }
0x64: {  	_ =	shalt  }
0x65: {  	_ =	shalt  }
0x66: {  	_ =	shalt  }
0x67: {  	_ =	shalt  }
0x68: {  	_ =	shalt  }
0x69: {  	_ =	shalt  }
0x6a: {  	_ =	shalt  }
0x6b: {  	_ =	shalt  }
0x6c: {  	_ =	shalt  }
0x6d: {  	_ =	shalt  }
0x6e: {  	_ =	shalt  }
0x6f: {  	_ =	shalt  }
0x70: {  	_ =	shalt  }
0x71: {  	_ =	shalt  }
0x72: {  	_ =	shalt  }
0x73: {  	_ =	shalt  }
0x74: {  	_ =	shalt  }
0x75: {  	_ =	shalt  }
0x76: {  	_ =	shalt  }
0x77: {  	_ =	shalt  }
0x78: {  	_ =	shalt  }
0x79: {  	_ =	shalt  }
0x7a: {  	_ =	shalt  }
0x7b: {  	_ =	shalt  }
0x7c: {  	_ =	shalt  }
0x7d: {  	_ =	shalt  }
0x7e: {  	_ =	shalt  }
0x7f: {  	_ =	shalt  }
0x80: {  	_ =	shalt  }
0x81: {  	_ =	shalt  }
0x82: {  	_ =	shalt  }
0x83: {  	_ =	shalt  }
0x84: {  	_ =	shalt  }
0x85: {  	_ =	shalt  }
0x86: {  	_ =	shalt  }
0x87: {  	_ =	shalt  }
.Lfunc_end0:
.L_simem_size_0:
called_computation.1_lowered:
.L_overlay_start_0:
0x88: {  	s2 =	sld [smem:$0x3FD9]  }
0x89: {  	s3 =	sld [smem:$0x3FFE];
	_ =	sdelay $0x1  }
0x8a: {  	s1 =	srdreg.scid  }
0x8b: {  	s0 =	sand.u32 $0x1, s1  }
0x8c: {  	s17 =	sshll.u32 s0, $0xA;
	s2 =	sadd.s32 s3, s2  }
0x8d: {  	s2 =	sadd.s32 s2, s17  }
0x8e: {  	[smem:$0x3FC0] =	sst s2  }
0x8f: {  	_ = 	snop  }
0x90: {  	s2 =	sld [smem:$0x3FD0];
	(tm) =	ssettm $0x1  }
0x91: {  	s18 =	sld [smem:$0x3FFB];
	_ =	sdelay $0x3  }
0x92: {  	_ =	strace s18  }
0x93: {  	s3 =	sld [smem:$0x3FFC];
	_ =	sdelay $0x3  }
0x94: {  	_ =	strace s3  }
0x95: {  	s3 =	sld [smem:$0x3FFD];
	_ =	sdelay $0x3  }
0x96: {  	_ =	strace s3  }
0x97: {  	_ =	strace $0x8FFFFFFF  }
0x98: {  	s19 =	sld [smem:$0x3FDB];
	_ =	sdelay $0x1  }
0x99: {  	s4 =	simm.s32 $_scs_section_size  }
0x9a: {  	s5 =	simm.s32 $_size__tile_overlayer_lowered;
	s6 =	simm.s32 $_tile_overlayer_lowered  }
0x9b: {  	s22 =	simm.s32 $0x1BFF;
	s21 =	sshll.u32 s6, $0x1;
	s3 =	sadd.s32 s4, s19  }
0x9c: {  	s7 =	simm.s32 $0x0;
	s20 =	sshll.u32 s5, $0x1;
	s5 =	sadd.s32 s21, s3  }
0x9d: {  	[timem:s7], [sflag:s22] =	dma.local [hbm:s5], s20  }
0x9e: {  	_ =	swait.ge [sflag:s22], s20  }
0x9f: {  	s4 =	ssub.s32 $0x0, s20;
	[sflag:s22] =	ssyncset.done $0x0  }
0xa0: {  	[sflag:s22] =	ssyncadd.s32 s4;
	_ =	sdelay $0x1  }
0xa1: {  	s23 =	simm.s32 $0x1B8B  }
0xa2: {  	_ =	swait.ge [sflag:s23], $0x1  }
0xa3: {  	[sflag:s23] =	ssyncset.done $0x0  }
0xa4: {  	s25 =	simm.s32 $0x1B8E;
	s24 =	sld [smem:$0x3FFE];
	[sflag:s23] =	ssyncadd.s32 $0xFFFFFFFF  }
0xa5: {  	s26 =	simm.s32 $execute0_lowered;
	[smem:$0x3FD2] =	sst s25  }
0xa6: {  	s5 =	sshll.u32 s26, $0x1;
	_ =	strace $0x80000049;
	[dreg:$0x1] =	wrdreg $0xFFFFFFFF  }
0xa7: {  	s28 =	simm.s32 $_size_execute0_lowered;
	s3 =	sadd.s32 s3, s5;
	[dreg:$0x0] =	wrdreg $0x0  }
0xa8: {  	s5 =	sshll.u32 s28, $0x1;
	[dreg:$0x2] =	wrdreg s3  }
0xa9: {  	[dreg:$0x3] =	wrdreg s5  }
0xaa: {  	[dreg:$0x4] =	wrdreg $0xC0  }
0xab: {  	_ =	task [dreg:s7], $0x5FFFF  }
0xac: {  	[dreg:$0x1] =	wrdreg $0xFFFFFFFF  }
0xad: {  	[dreg:$0x0] =	wrdreg $0x60  }
0xae: {  	[dreg:$0x2] =	wrdreg s24  }
0xaf: {  	[dreg:$0x3] =	wrdreg s2  }
0xb0: {  	[dreg:$0x4] =	wrdreg $0x9  }
0xb1: {  	_ =	task.clear_ibuf [dreg:s7], $0x5FFFF;
	_ =	strace $0x90000049  }
0xb2: {  	s29 =	simm.s32 $0x9;
	_ =	strace $0x8000004B  }
0xb3: {  	_ =	swait.ge [sflag:s29], $0x1  }
0xb4: {  	[sflag:s29] =	ssyncadd.s32 $0xFFFFFFFF  }
0xb5: {  	_ =	strace $0x9000004B  }
0xb6: {  	_ =	sfence  }
0xb7: {  	s30 =	sld [smem:$0x0];
	_ =	sdelay $0x2  }
0xb8: {  	s31 =	sshll.u32 s1, $0xD;
	s1 =	sshrl.u32 s1, $0x2  }
0xb9: {  	s3 =	sand.u32 $0x4000, s31;
	s1 =	sadd.s32 s1, s30  }
0xba: {  	s0 =	sor.u32 s3, s0;
	s1 =	sshll.u32 s1, $0x11  }
0xbb: {  	s0 =	sor.u32 s1, s0  }
0xbc: {  	s0 =	sadd.s32 $0x8F2B, s0  }
0xbd: {  	[sflag:s0] =	ssyncadd.remote.s32 $0x1  }
0xbe: {  	_ =	sfence.sel $0xFFFF  }
0xbf: {  	[dreg:$0x0] =	wrdreg $0xFFFFFFFF;
	(pc) =	sbr.abs _section_cstart, $3  }
0xc0: {  	[dreg:$0x1] =	wrdreg $0xFFFFFFFF  }
0xc1: {  	_ =	task.clear_ibuf [dreg:s7], $0x2FFFF;
	_ =	strace $0x9FFFFFFF  }
0xc2: {  	(tm) =	ssettm $0x7FFFFFFF  }
0xc3: {  	_ =	shalt  }
tec
execute0_lowered:
.L_overlay_start_1:
0x0: {  	(tag) =	ssettag $0x1  }
0x1: {  	s11 =	rddreg [dreg:$0x0]  }
0x2: {  	s1 =	srdreg.scid;
	s0 =	stileid.u32  }
0x3: {  	s3 =	rddreg [dreg:$0x1];
	s12 =	sand.u32 $0x1, s1;
	s4 =	sshll.u32 s0, $0x1  }
0x4: {  	s2 =	simm.s32 $0x0;
	s1 =	rddreg [dreg:$0x2];
	s13 =	sor.u32 s12, s4  }
0x5: {  	[smem:$0x7FF] =	sst s2;
	s4 =	sshll.u32 s13, $0x5  }
0x6: {  	_ =	strace $0x8000004A;
	s4 =	sadd.s32 s3, s4;
	s3 =	simm.s32 $0x2  }
0x7: {  	[tilespmem:s2], [sflag:$0x2] =	stream.linear.gather [hbm4b:s4+s2], $0x100, $0x38;
	[tilespmem:$0x5100] =	vst v63  }
0x8: {  	_ =	swait.ge [sflag:s3], $0x100  }
0x9: {  	s6 =	simm.s32 $0x50;
	s7 =	simm.s32 $0x100;
	[sflag:s3] =	ssyncset.done $0x0  }
0xa: {  	s8 =	simm.s32 $0x80;
	s5 =	sadd.s32 $0x2FCA00, s11;
	[sflag:s3] =	ssyncadd.s32 $0xFFFFFF00  }
0xb: {  	[tilespmem:s7], [sflag:$0x1] =	stream.indirect.gather [hbm4b:s5+s6], $0x80, s2, s6, $0xb8;
	[tilespmem:$0x5100] =	vst v63  }
0xc: {  	s9 =	simm.s32 $0x2900;
	s10 =	simm.s32 $0x1;
	s12 =	ssub.s32 $0x2, s12  }
0xd: {  	[tilespmem:s9], [sflag:$0x1] =	stream.indirect.gather [hbm4b:s5+s6], $0x80, s8, s6, $0xb8;
	[tilespmem:$0x5100] =	vst v63  }
0xe: {  	s14 =	sshrl.u32 s12, $0x1;
	_ =	swait.ge [sflag:s10], $0x2800  }
0xf: {  	s12 =	ssub.s32 s12, s14;
	[sflag:s10] =	ssyncset.done $0x0  }
0x10: {  	s13 =	smul.u32 $0xA00, s13;
	s12 =	smax.u32 s12, $0x1;
	[sflag:s10] =	ssyncadd.s32 $0xFFFFD800  }
0x11: {  	p0 =	sne.s32 s12, $0x1;
	_ =	swait.ge [sflag:s10], $0x2800  }
.Ltmp0:
0x12: {  	s11 =	sadd.s32 s13, s11;
	[sflag:s10] =	ssyncset.done $0x0;
	(pc) =	sbr.rel @!p0 .LBB2_2-.Ltmp0, $4  }
0x13: {  	s11 =	sadd.s32 $0x2000, s11;
	[sflag:s10] =	ssyncadd.s32 $0xFFFFD800  }
0x14: {  	[hbm4b:s11+s2] =	stream.linear.scatter [tilespmem:s7], [sflag:$0x2], $0x5000, $0x38;
	[tilespmem:$0x5100] =	vst v63  }
0x15: {  	_ =	swait.ge [sflag:s3], $0x5000  }
0x16: {  	s12 =	sadd.s32 $0xFFFFFFFF, s12;
	[sflag:s3] =	ssyncset.done $0x0  }
.LBB2_1:
0x17: {  	p0 =	sne.s32 s12, $0x1;
	s12 =	sadd.s32 $0xFFFFFFFF, s12;
	[sflag:s3] =	ssyncadd.s32 $0xFFFFB000  }
0x18: {  	[tilespmem:s2], [sflag:$0x2] =	stream.linear.gather [hbm4b:s4+s2], $0x100, $0x38;
	[tilespmem:$0x5100] =	vst v63  }
0x19: {  	_ =	swait.ge [sflag:s3], $0x100  }
0x1a: {  	[sflag:s3] =	ssyncset.done $0x0  }
0x1b: {  	[sflag:s3] =	ssyncadd.s32 $0xFFFFFF00  }
0x1c: {  	[tilespmem:s7], [sflag:$0x1] =	stream.indirect.gather [hbm4b:s5+s6], $0x80, s2, s6, $0xb8;
	[tilespmem:$0x5100] =	vst v63  }
0x1d: {  	_ = 	snop  }
0x1e: {  	[tilespmem:s9], [sflag:$0x1] =	stream.indirect.gather [hbm4b:s5+s6], $0x80, s8, s6, $0xb8;
	[tilespmem:$0x5100] =	vst v63  }
0x1f: {  	_ =	swait.ge [sflag:s10], $0x2800  }
0x20: {  	[sflag:s10] =	ssyncset.done $0x0  }
0x21: {  	[sflag:s10] =	ssyncadd.s32 $0xFFFFD800  }
0x22: {  	_ =	swait.ge [sflag:s10], $0x2800  }
.Ltmp1:
0x23: {  	[sflag:s10] =	ssyncset.done $0x0;
	(pc) =	sbr.rel @p0 .LBB2_1-.Ltmp1, $4  }
0x24: {  	[sflag:s10] =	ssyncadd.s32 $0xFFFFD800  }
0x25: {  	[hbm4b:s11+s2] =	stream.linear.scatter [tilespmem:s7], [sflag:$0x2], $0x5000, $0x38;
	[tilespmem:$0x5100] =	vst v63  }
0x26: {  	_ =	swait.ge [sflag:s3], $0x5000  }
0x27: {  	[sflag:s3] =	ssyncset.done $0x0  }
.LBB2_2:
0x28: {  	[sflag:s3] =	ssyncadd.s32 $0xFFFFB000  }
0x29: {  	_ =	sfence.sel $0x180000  }
0x2a: {  	[bflag:$0x0] =	sbarrier.arrive $0xFFFF  }
0x2b: {  	p0 =	sne.s32 s0, $0x0;
	_ =	strace $0x9000004A  }
0x2c: {  	s0 =	sadd.s32 @!p0 $0x100000, s1;
	[bflag:$0x2] =	sbarrier.arrive $0xFFFF  }
0x2d: {  	[sflag:s0] =	ssyncadd.tile.s32 @!p0 $0x1;
	_ =	shalt  }
.Lfunc_end2:
_tile_overlayer_lowered:
.L_overlay_start_2:
0x2e: {  	(tag) =	ssettag $0x2  }
0x2f: {  	s0 =	rddreg [dreg:$0x0];
	s2 =	stileid.u32  }
0x30: {  	s1 =	rddreg [dreg:$0x1];
	p0 =	sne.s32 s2, $0x0  }
0x31: {  	s3 =	rddreg [dreg:$0x2];
	[bflag:$0x3] =	sbarrier.arrive $0xFFFF;
	s2 =	simm.s32 @!p0 $0x1C02  }
0x32: {  	[timem:s3], [sflag:s2] =	dma.local @!p0 [hbm:s0], s1  }
0x33: {  	s0 =	simm.s32 @!p0 $0x2  }
0x34: {  	_ =	swait.ge @!p0 [sflag:s0], s1  }
0x35: {  	s1 =	ssub.s32 @!p0 $0x0, s1;
	[sflag:s0] =	ssyncset.done @!p0 $0x0  }
0x36: {  	[sflag:s0] =	ssyncadd.s32 @!p0 s1  }
0x37: {  	[bflag:$0x3] =	sbarrier.arrive $0xFFFF  }
0x38: {  	_ =	shalt  }

// kernel: kernel.9.cloned.1.call-start
scs
__scs_entry_jumppad:
0x0: {  	(pc) =	sbr.rel $0x88, $3  }
0x1: {  	(tag) =	ssettag $0x0;
	lr =	simm.s32 $0x1  }
0x2: {  	[smem:$0x3F99] =	sst lr;
	_ =	strace $0xD0000000  }
0x3: {  	_ = 	snop  }
0x4: {  	_ = 	snop  }
0x5: {  	_ = 	snop  }
0x6: {  	_ = 	snop  }
0x7: {  	_ = 	snop  }
__scs_overlays_trampoline_lowered:
0x8: {  	[smem:$0x3FA8] =	sst s0  }
0x9: {  	[smem:$0x3FA9] =	sst s1  }
0xa: {  	[smem:$0x3FAA] =	sst s2  }
0xb: {  	[smem:$0x3FAB] =	sst s3  }
0xc: {  	[smem:$0x3FAC] =	sst s4  }
0xd: {  	[smem:$0x3FAD] =	sst s5  }
0xe: {  	[smem:$0x3FAE] =	sst s6  }
0xf: {  	[smem:$0x3FAF] =	sst s7  }
0x10: {  	[smem:$0x3FB0] =	sst s8  }
0x11: {  	[smem:$0x3FB1] =	sst s9;
	s0 =	simm.s32 @!p0 $0x0  }
0x12: {  	s1 =	sld [smem:$0x3F97];
	s0 =	simm.s32 @p0 $0x1  }
0x13: {  	[smem:$0x3FB2] =	sst s0;
	s0 =	simm.s32 @!p1 $0x0  }
0x14: {  	s2 =	sld [smem:$0x3F96];
	s0 =	simm.s32 @p1 $0x1  }
0x15: {  	[smem:$0x3FB3] =	sst s0;
	s0 =	simm.s32 @!p2 $0x0  }
0x16: {  	s3 =	sld [smem:$0x3FDB];
	s0 =	simm.s32 @p2 $0x1  }
0x17: {  	s4 =	simm.s32 $0x1BF5;
	[smem:$0x3FB5] =	sst s0  }
0x18: {  	s0 =	sld [smem:$0x3F98];
	_ =	swait.ge [sflag:s4], $0x0  }
0x19: {  	s7 =	sld [smem:$0x3F99]  }
0x1a: {  	s8 =	sadd.s32 $0xFFFFE003, lr  }
0x1b: {  	s9 =	sadd.s32 $0xFFFFFEF7, lr;
	s5 =	simm.s32 $0xFFFFFFFF;
	p2 =	slt.u32 s8, $0xFFFFF086  }
0x1c: {  	p1 =	slt.u32 s9, $0xF7A;
	s5 =	simm.s32 @!p2 $0x0  }
0x1d: {  	s5 =	simm.s32 @p1 $0x1;
	p0 =	seq.s32 s7, s2  }
0x1e: {  	s7 =	smul.u32 @!p0 $0xF7A, s2;
	p2 =	seq.s32 @!p0 s5, $0x0  }
0x1f: {  	s9 =	smul.u32 $0xF7A, s1;
	s8 =	simm.s32 @!p0 $0x1BF5;
	p2 =	por !p2, p0  }
0x20: {  	[sflag:s8] =	ssyncset.s32 @!p0 $0xFFFFF086;
	s6 =	sadd.s32 @!p0 s3, s7;
	s7 =	simm.s32 @!p0 $0x108  }
0x21: {  	s3 =	sadd.s32 s3, s9;
	s6 =	sadd.s32 @!p0 $0x88, s6;
	s7 =	simm.s32 @p2 $0x1082  }
0x22: {  	[simem:s7], [sflag:s8] =	dma.local @!p0 [hbm:s6], $0xF7A  }
0x23: {  	s9 =	sor.u32 $0xD0000000, s2;
	s6 =	simm.s32 $0x108;
	_ =	swait.ge @!p0 [sflag:s8], $0x0  }
0x24: {  	s3 =	sadd.s32 $0x88, s3;
	s6 =	simm.s32 @!p1 $0x1082;
	[sflag:s4] =	ssyncset.s32 $0xFFFFF086  }
0x25: {  	[simem:s6], [sflag:s4] =	dma.local [hbm:s3], $0xF7A  }
0x26: {  	[smem:$0x3F99] =	sst s1;
	(tag) =	ssettag s2;
	_ =	strace s9  }
0x27: {  	s1 =	sld [smem:$0x3FA9]  }
0x28: {  	s2 =	sld [smem:$0x3FAA]  }
0x29: {  	s4 =	sld [smem:$0x3FAC]  }
0x2a: {  	p0 =	seq.s32 s5, $0x0;
	s5 =	sld [smem:$0x3FAD]  }
0x2b: {  	s6 =	sld [smem:$0x3FAE]  }
0x2c: {  	s7 =	sld [smem:$0x3FAF]  }
0x2d: {  	s3 =	simm.s32 $0x108;
	s8 =	sld [smem:$0x3FB0]  }
0x2e: {  	s3 =	simm.s32 @!p0 $0x1082;
	s9 =	sld [smem:$0x3FB1]  }
0x2f: {  	lr =	sadd.s32 s0, s3;
	s0 =	sld [smem:$0x3FA8]  }
0x30: {  	s3 =	sld [smem:$0x3FAB]  }
0x31: {  	[smem:$0x3FB4] =	sst s10  }
0x32: {  	s10 =	sld [smem:$0x3FB2];
	_ =	sdelay $0x3  }
0x33: {  	p0 =	seq.s32 s10, $0x1;
	s10 =	sld [smem:$0x3FB4];
	_ =	sdelay $0x3  }
0x34: {  	[smem:$0x3FB4] =	sst s10  }
0x35: {  	s10 =	sld [smem:$0x3FB3];
	_ =	sdelay $0x3  }
0x36: {  	p1 =	seq.s32 s10, $0x1;
	s10 =	sld [smem:$0x3FB4];
	_ =	sdelay $0x3  }
0x37: {  	[smem:$0x3FB4] =	sst s10  }
0x38: {  	s10 =	sld [smem:$0x3FB5]  }
0x39: {  	_ = 	snop;
	(pc) =	sbr.ind lr, $3  }
0x3a: {  	_ = 	snop  }
0x3b: {  	_ = 	snop  }
0x3c: {  	p2 =	seq.s32 s10, $0x1;
	s10 =	sld [smem:$0x3FB4]  }
0x3d: {  	_ =	shalt  }
0x3e: {  	_ =	shalt  }
0x3f: {  	_ =	shalt  }
0x40: {  	_ =	shalt  }
0x41: {  	_ =	shalt  }
0x42: {  	_ =	shalt  }
0x43: {  	_ =	shalt  }
0x44: {  	_ =	shalt  }
0x45: {  	_ =	shalt  }
0x46: {  	_ =	shalt  }
0x47: {  	_ =	shalt  }
0x48: {  	_ =	shalt  }
0x49: {  	_ =	shalt  }
0x4a: {  	_ =	shalt  }
0x4b: {  	_ =	shalt  }
0x4c: {  	_ =	shalt  }
0x4d: {  	_ =	shalt  }
0x4e: {  	_ =	shalt  }
0x4f: {  	_ =	shalt  }
0x50: {  	_ =	shalt  }
0x51: {  	_ =	shalt  }
0x52: {  	_ =	shalt  }
0x53: {  	_ =	shalt  }
0x54: {  	_ =	shalt  }
0x55: {  	_ =	shalt  }
0x56: {  	_ =	shalt  }
0x57: {  	_ =	shalt  }
0x58: {  	_ =	shalt  }
0x59: {  	_ =	shalt  }
0x5a: {  	_ =	shalt  }
0x5b: {  	_ =	shalt  }
0x5c: {  	_ =	shalt  }
0x5d: {  	_ =	shalt  }
0x5e: {  	_ =	shalt  }
0x5f: {  	_ =	shalt  }
0x60: {  	_ =	shalt  }
0x61: {  	_ =	shalt  }
0x62: {  	_ =	shalt  }
0x63: {  	_ =	shalt  }
0x64: {  	_ =	shalt  }
0x65: {  	_ =	shalt  }
0x66: {  	_ =	shalt  }
0x67: {  	_ =	shalt  }
0x68: {  	_ =	shalt  }
0x69: {  	_ =	shalt  }
0x6a: {  	_ =	shalt  }
0x6b: {  	_ =	shalt  }
0x6c: {  	_ =	shalt  }
0x6d: {  	_ =	shalt  }
0x6e: {  	_ =	shalt  }
0x6f: {  	_ =	shalt  }
0x70: {  	_ =	shalt  }
0x71: {  	_ =	shalt  }
0x72: {  	_ =	shalt  }
0x73: {  	_ =	shalt  }
0x74: {  	_ =	shalt  }
0x75: {  	_ =	shalt  }
0x76: {  	_ =	shalt  }
0x77: {  	_ =	shalt  }
0x78: {  	_ =	shalt  }
0x79: {  	_ =	shalt  }
0x7a: {  	_ =	shalt  }
0x7b: {  	_ =	shalt  }
0x7c: {  	_ =	shalt  }
0x7d: {  	_ =	shalt  }
0x7e: {  	_ =	shalt  }
0x7f: {  	_ =	shalt  }
0x80: {  	_ =	shalt  }
0x81: {  	_ =	shalt  }
0x82: {  	_ =	shalt  }
0x83: {  	_ =	shalt  }
0x84: {  	_ =	shalt  }
0x85: {  	_ =	shalt  }
0x86: {  	_ =	shalt  }
0x87: {  	_ =	shalt  }
.Lfunc_end0:
.L_simem_size_0:
called_computation_lowered:
.L_overlay_start_0:
0x88: {  	s2 =	sld [smem:$0x3FD9]  }
0x89: {  	s3 =	sld [smem:$0x3FFE];
	_ =	sdelay $0x1  }
0x8a: {  	s1 =	srdreg.scid  }
0x8b: {  	s0 =	sand.u32 $0x1, s1  }
0x8c: {  	s16 =	sshll.u32 s0, $0xA;
	s2 =	sadd.s32 s3, s2  }
0x8d: {  	s2 =	sadd.s32 s2, s16  }
0x8e: {  	[smem:$0x3FC0] =	sst s2  }
0x8f: {  	_ = 	snop  }
0x90: {  	(tm) =	ssettm $0x1  }
0x91: {  	s17 =	sld [smem:$0x3FFB];
	_ =	sdelay $0x3  }
0x92: {  	_ =	strace s17  }
0x93: {  	s2 =	sld [smem:$0x3FFC];
	_ =	sdelay $0x3  }
0x94: {  	_ =	strace s2  }
0x95: {  	s2 =	sld [smem:$0x3FFD];
	_ =	sdelay $0x3  }
0x96: {  	_ =	strace s2  }
0x97: {  	_ =	strace $0x8FFFFFFF  }
0x98: {  	s18 =	sld [smem:$0x3FDB];
	_ =	sdelay $0x1  }
0x99: {  	s19 =	simm.s32 $_scs_section_size  }
0x9a: {  	s4 =	simm.s32 $_size__tile_overlayer_lowered;
	s5 =	simm.s32 $_tile_overlayer_lowered  }
0x9b: {  	s22 =	simm.s32 $0x1BFF;
	s21 =	sshll.u32 s5, $0x1;
	s2 =	sadd.s32 s19, s18  }
0x9c: {  	s6 =	simm.s32 $0x0;
	s20 =	sshll.u32 s4, $0x1;
	s4 =	sadd.s32 s21, s2  }
0x9d: {  	[timem:s6], [sflag:s22] =	dma.local [hbm:s4], s20  }
0x9e: {  	_ =	swait.ge [sflag:s22], s20  }
0x9f: {  	s3 =	ssub.s32 $0x0, s20;
	[sflag:s22] =	ssyncset.done $0x0  }
0xa0: {  	[sflag:s22] =	ssyncadd.s32 s3;
	_ =	sdelay $0x1  }
0xa1: {  	s23 =	simm.s32 $0x1B8B  }
0xa2: {  	_ =	swait.ge [sflag:s23], $0x1  }
0xa3: {  	[sflag:s23] =	ssyncset.done $0x0  }
0xa4: {  	s25 =	simm.s32 $0x1B8E;
	s24 =	sld [smem:$0x3FFE];
	[sflag:s23] =	ssyncadd.s32 $0xFFFFFFFF  }
0xa5: {  	s26 =	simm.s32 $execute0_lowered;
	[smem:$0x3FD2] =	sst s25  }
0xa6: {  	s4 =	sshll.u32 s26, $0x1;
	_ =	strace $0x80000046;
	[dreg:$0x1] =	wrdreg $0xFFFFFFFF  }
0xa7: {  	s28 =	simm.s32 $_size_execute0_lowered;
	s2 =	sadd.s32 s2, s4;
	[dreg:$0x0] =	wrdreg $0x0  }
0xa8: {  	s4 =	sshll.u32 s28, $0x1;
	[dreg:$0x2] =	wrdreg s2  }
0xa9: {  	[dreg:$0x3] =	wrdreg s4  }
0xaa: {  	[dreg:$0x4] =	wrdreg $0xC0  }
0xab: {  	_ =	task [dreg:s6], $0x5FFFF  }
0xac: {  	[dreg:$0x1] =	wrdreg $0xFFFFFFFF  }
0xad: {  	[dreg:$0x0] =	wrdreg $0x60  }
0xae: {  	[dreg:$0x2] =	wrdreg s24  }
0xaf: {  	[dreg:$0x3] =	wrdreg $0x9  }
0xb0: {  	_ =	task.clear_ibuf [dreg:s6], $0x4FFFF;
	_ =	strace $0x90000046  }
0xb1: {  	s29 =	simm.s32 $0x9;
	_ =	strace $0x80000048  }
0xb2: {  	_ =	swait.ge [sflag:s29], $0x1  }
0xb3: {  	[sflag:s29] =	ssyncadd.s32 $0xFFFFFFFF  }
0xb4: {  	_ =	strace $0x90000048  }
0xb5: {  	_ =	sfence  }
0xb6: {  	s30 =	sld [smem:$0x0];
	_ =	sdelay $0x2  }
0xb7: {  	s31 =	sshll.u32 s1, $0xD;
	s1 =	sshrl.u32 s1, $0x2  }
0xb8: {  	s3 =	sand.u32 $0x4000, s31;
	s1 =	sadd.s32 s1, s30  }
0xb9: {  	s0 =	sor.u32 s3, s0;
	s1 =	sshll.u32 s1, $0x11  }
0xba: {  	s0 =	sor.u32 s1, s0  }
0xbb: {  	s0 =	sadd.s32 $0x8F2B, s0  }
0xbc: {  	[sflag:s0] =	ssyncadd.remote.s32 $0x1  }
0xbd: {  	_ =	sfence.sel $0xFFFF  }
0xbe: {  	[dreg:$0x0] =	wrdreg $0xFFFFFFFF;
	(pc) =	sbr.abs _section_cstart, $3  }
0xbf: {  	[dreg:$0x1] =	wrdreg $0xFFFFFFFF  }
0xc0: {  	_ =	task.clear_ibuf [dreg:s6], $0x2FFFF;
	_ =	strace $0x9FFFFFFF  }
0xc1: {  	(tm) =	ssettm $0x7FFFFFFF  }
tec
execute0_lowered:
.L_overlay_start_1:
0x0: {  	(tag) =	ssettag $0x1  }
0x1: {  	s0 =	rddreg [dreg:$0x0];
	s1 =	srdreg.scid  }
0x2: {  	s3 =	stileid.u32;
	s2 =	simm.s32 $0x0;
	s14 =	simm.s32 $0x800  }
0x3: {  	s31 =	simm.s32 $0x8800;
	s28 =	simm.s32 $0x3;
	s29 =	simm.s32 $0x2  }
0x4: {  	s30 =	simm.s32 $0x4;
	s1 =	sand.u32 $0x1, s1;
	s3 =	sshll.u32 s3, $0x1  }
0x5: {  	[smem:$0x7FF] =	sst s2;
	s7 =	sadd.s32 $0x36000, s0;
	s4 =	sor.u32 s1, s3  }
0x6: {  	_ =	strace $0x80000047;
	s5 =	smul.u32 $0xA000, s4;
	s6 =	sshll.u32 s4, $0x8  }
0x7: {  	s1 =	ssub.s32 $0x2, s1;
	s4 =	smul.u32 $0x50000, s4;
	s6 =	sadd.s32 s6, s0  }
0x8: {  	s3 =	sadd.s32 $0x2000, s0;
	s8 =	sshrl.u32 s1, $0x1;
	s6 =	sadd.s32 $0x34000, s6  }
0x9: {  	s5 =	sadd.s32 s7, s5;
	s4 =	sshrl.u32 s4, $0x3;
	[dreg:$0x2] =	wrdreg s6  }
0xa: {  	[dreg:$0xc] =	wrdreg s5;
	s5 =	sadd.s32 $0x1000, s5;
	s4 =	sadd.s32 s7, s4  }
0xb: {  	s1 =	ssub.s32 s1, s8;
	[dreg:$0x3] =	wrdreg s5;
	s24 =	sadd.s32 $0x2000, s4  }
0xc: {  	s8 =	sadd.s32 $0x2400, s0;
	s7 =	sadd.s32 $0x3000, s4;
	[dreg:$0x4] =	wrdreg s24  }
0xd: {  	s6 =	sadd.s32 $0x2200, s0;
	s25 =	sadd.s32 $0x4000, s4;
	[dreg:$0x5] =	wrdreg s7  }
0xe: {  	s5 =	sadd.s32 $0x2100, s0;
	s9 =	sadd.s32 $0x5000, s4;
	[dreg:$0x6] =	wrdreg s25  }
0xf: {  	s10 =	sadd.s32 $0x6000, s4;
	s11 =	sadd.s32 $0x7000, s4;
	[dreg:$0x7] =	wrdreg s9  }
0x10: {  	s12 =	sadd.s32 $0x8000, s4;
	s26 =	sadd.s32 $0x9000, s4;
	[dreg:$0x8] =	wrdreg s10  }
0x11: {  	v2 =	vlaneseq.u32;
	s7 =	sadd.s32 $0x2300, s0;
	s9 =	sadd.s32 $0x2500, s0;
	[dreg:$0x9] =	wrdreg s11  }
0x12: {  	vm0 =	vmmov $0xffff;
	v1 =	vshrl.u32 v2, $0x3;
	s10 =	sadd.s32 $0x2600, s0;
	s11 =	sadd.s32 $0x2700, s0;
	[dreg:$0xa] =	wrdreg s12  }
0x13: {  	v0 =	vand.u32 $0x7, v2;
	v2 =	vor.u32 $0x8, v2;
	v1 =	vmul.u32 $0x8, v1;
	[dreg:$0xb] =	wrdreg s26;
	s12 =	smax.u32 s1, $0x1;
	s26 =	simm.s32 $0x1  }
.LBB2_1:
0x14: {  	s0 =	rddreg [dreg:$0x2];
	s23 =	simm.s32 $0x5  }
0x15: {  	[tilespmem:s2], [sflag:$0x5] =	stream.linear.gather [hbm4b:s0+s2], $0x500, $0x38;
	[tilespmem:$0x10800] =	vst v63  }
0x16: {  	_ =	swait.ge [sflag:s23], $0x500  }
0x17: {  	[sflag:s23] =	ssyncset.done $0x0  }
0x18: {  	[sflag:s23] =	ssyncadd.s32 $0xFFFFFB00  }
0x19: {  	v3 =	vld [tilespmem:$0x0];
	_ =	sdelay $0x4  }
0x1a: {  	v4 =	vshll.u32 v3, $0x4  }
0x1b: {  	v3 =	vand.u32 $0x7, v3;
	v4 =	vand.u32 $0xFFFFFF80, v4  }
0x1c: {  	v3 =	vor.u32 v3, v4  }
0x1d: {  	v4 =	vperm.xlane v3, v0;
	_ =	sdelay $0x1  }
0x1e: {  	v4 =	vadd.s32 v1, v4;
	_ =	sdelay $0x4  }
0x1f: {  	[tilespmem:s14], [sflag:$0x1] =	stream.indirect_vreg.gather [hbm4b:s3+s2], $0x80, v4, vm0, $0xb8;
	[tilespmem:$0x10800] =	vst v63  }
0x20: {  	s24 =	simm.s32 $0x1000  }
0x21: {  	[tilespmem:s24], [sflag:$0x1] =	stream.indirect_vreg.gather [hbm4b:s5+s2], $0x80, v4, vm0, $0xb8;
	[tilespmem:$0x10800] =	vst v63  }
0x22: {  	s25 =	simm.s32 $0x1800  }
0x23: {  	[tilespmem:s25], [sflag:$0x1] =	stream.indirect_vreg.gather [hbm4b:s6+s2], $0x80, v4, vm0, $0xb8;
	[tilespmem:$0x10800] =	vst v63  }
0x24: {  	s1 =	simm.s32 $0x2000  }
0x25: {  	[tilespmem:s1], [sflag:$0x1] =	stream.indirect_vreg.gather [hbm4b:s7+s2], $0x80, v4, vm0, $0xb8;
	[tilespmem:$0x10800] =	vst v63  }
0x26: {  	s4 =	simm.s32 $0x2800  }
0x27: {  	[tilespmem:s4], [sflag:$0x1] =	stream.indirect_vreg.gather [hbm4b:s8+s2], $0x80, v4, vm0, $0xb8;
	[tilespmem:$0x10800] =	vst v63  }
0x28: {  	s13 =	simm.s32 $0x3000;
	v3 =	vperm.xlane v3, v2  }
0x29: {  	[tilespmem:s13], [sflag:$0x1] =	stream.indirect_vreg.gather [hbm4b:s9+s2], $0x80, v4, vm0, $0xb8;
	[tilespmem:$0x10800] =	vst v63  }
0x2a: {  	s15 =	simm.s32 $0x3800;
	v3 =	vadd.s32 v1, v3  }
0x2b: {  	[tilespmem:s15], [sflag:$0x1] =	stream.indirect_vreg.gather [hbm4b:s10+s2], $0x80, v4, vm0, $0xb8;
	[tilespmem:$0x10800] =	vst v63  }
0x2c: {  	s16 =	simm.s32 $0x4000  }
0x2d: {  	[tilespmem:s16], [sflag:$0x1] =	stream.indirect_vreg.gather [hbm4b:s11+s2], $0x80, v4, vm0, $0xb8;
	[tilespmem:$0x10800] =	vst v63  }
0x2e: {  	s17 =	simm.s32 $0x4800  }
0x2f: {  	[tilespmem:s17], [sflag:$0x1] =	stream.indirect_vreg.gather [hbm4b:s3+s2], $0x80, v3, vm0, $0xb8;
	[tilespmem:$0x10800] =	vst v63  }
0x30: {  	s18 =	simm.s32 $0x5000  }
0x31: {  	[tilespmem:s18], [sflag:$0x1] =	stream.indirect_vreg.gather [hbm4b:s5+s2], $0x80, v3, vm0, $0xb8;
	[tilespmem:$0x10800] =	vst v63  }
0x32: {  	s19 =	simm.s32 $0x5800  }
0x33: {  	[tilespmem:s19], [sflag:$0x1] =	stream.indirect_vreg.gather [hbm4b:s6+s2], $0x80, v3, vm0, $0xb8;
	[tilespmem:$0x10800] =	vst v63  }
0x34: {  	s20 =	simm.s32 $0x6000  }
0x35: {  	[tilespmem:s20], [sflag:$0x1] =	stream.indirect_vreg.gather [hbm4b:s7+s2], $0x80, v3, vm0, $0xb8;
	[tilespmem:$0x10800] =	vst v63  }
0x36: {  	s21 =	simm.s32 $0x6800  }
0x37: {  	[tilespmem:s21], [sflag:$0x1] =	stream.indirect_vreg.gather [hbm4b:s8+s2], $0x80, v3, vm0, $0xb8;
	[tilespmem:$0x10800] =	vst v63  }
0x38: {  	s22 =	simm.s32 $0x7000  }
0x39: {  	[tilespmem:s22], [sflag:$0x1] =	stream.indirect_vreg.gather [hbm4b:s9+s2], $0x80, v3, vm0, $0xb8;
	[tilespmem:$0x10800] =	vst v63  }
0x3a: {  	s23 =	simm.s32 $0x7800  }
0x3b: {  	[tilespmem:s23], [sflag:$0x1] =	stream.indirect_vreg.gather [hbm4b:s10+s2], $0x80, v3, vm0, $0xb8;
	[tilespmem:$0x10800] =	vst v63  }
0x3c: {  	s13 =	simm.s32 $0x8000  }
0x3d: {  	[tilespmem:s13], [sflag:$0x1] =	stream.indirect_vreg.gather [hbm4b:s11+s2], $0x80, v3, vm0, $0xb8;
	[tilespmem:$0x10800] =	vst v63  }
0x3e: {  	v3 =	vld [tilespmem:$0x80];
	_ =	sdelay $0x4  }
0x3f: {  	v55 =	vshll.u32 v3, $0x4  }
0x40: {  	v3 =	vand.u32 $0x7, v3;
	v4 =	vand.u32 $0xFFFFFF80, v55  }
0x41: {  	v3 =	vor.u32 v3, v4  }
0x42: {  	v4 =	vperm.xlane v3, v0;
	_ =	sdelay $0x1  }
0x43: {  	v4 =	vadd.s32 v1, v4;
	_ =	sdelay $0x4  }
0x44: {  	[tilespmem:s31], [sflag:$0x2] =	stream.indirect_vreg.gather [hbm4b:s3+s2], $0x80, v4, vm0, $0xb8;
	[tilespmem:$0x10800] =	vst v63  }
0x45: {  	s0 =	simm.s32 $0x9000  }
0x46: {  	[tilespmem:s0], [sflag:$0x2] =	stream.indirect_vreg.gather [hbm4b:s5+s2], $0x80, v4, vm0, $0xb8;
	[tilespmem:$0x10800] =	vst v63  }
0x47: {  	s0 =	simm.s32 $0x9800  }
0x48: {  	[tilespmem:s0], [sflag:$0x2] =	stream.indirect_vreg.gather [hbm4b:s6+s2], $0x80, v4, vm0, $0xb8;
	[tilespmem:$0x10800] =	vst v63  }
0x49: {  	s0 =	simm.s32 $0xA000  }
0x4a: {  	[tilespmem:s0], [sflag:$0x2] =	stream.indirect_vreg.gather [hbm4b:s7+s2], $0x80, v4, vm0, $0xb8;
	[tilespmem:$0x10800] =	vst v63  }
0x4b: {  	s0 =	simm.s32 $0xA800  }
0x4c: {  	[tilespmem:s0], [sflag:$0x2] =	stream.indirect_vreg.gather [hbm4b:s8+s2], $0x80, v4, vm0, $0xb8;
	[tilespmem:$0x10800] =	vst v63  }
0x4d: {  	v3 =	vperm.xlane v3, v2;
	s0 =	simm.s32 $0xB000  }
0x4e: {  	[tilespmem:s0], [sflag:$0x2] =	stream.indirect_vreg.gather [hbm4b:s9+s2], $0x80, v4, vm0, $0xb8;
	[tilespmem:$0x10800] =	vst v63  }
0x4f: {  	v3 =	vadd.s32 v1, v3;
	s0 =	simm.s32 $0xB800  }
0x50: {  	[tilespmem:s0], [sflag:$0x2] =	stream.indirect_vreg.gather [hbm4b:s10+s2], $0x80, v4, vm0, $0xb8;
	[tilespmem:$0x10800] =	vst v63  }
0x51: {  	s0 =	simm.s32 $0xC000  }
0x52: {  	[tilespmem:s0], [sflag:$0x2] =	stream.indirect_vreg.gather [hbm4b:s11+s2], $0x80, v4, vm0, $0xb8;
	[tilespmem:$0x10800] =	vst v63  }
0x53: {  	s0 =	simm.s32 $0xC800  }
0x54: {  	[tilespmem:s0], [sflag:$0x2] =	stream.indirect_vreg.gather [hbm4b:s3+s2], $0x80, v3, vm0, $0xb8;
	[tilespmem:$0x10800] =	vst v63  }
0x55: {  	s0 =	simm.s32 $0xD000  }
0x56: {  	[tilespmem:s0], [sflag:$0x2] =	stream.indirect_vreg.gather [hbm4b:s5+s2], $0x80, v3, vm0, $0xb8;
	[tilespmem:$0x10800] =	vst v63  }
0x57: {  	s0 =	simm.s32 $0xD800  }
0x58: {  	[tilespmem:s0], [sflag:$0x2] =	stream.indirect_vreg.gather [hbm4b:s6+s2], $0x80, v3, vm0, $0xb8;
	[tilespmem:$0x10800] =	vst v63  }
0x59: {  	s0 =	simm.s32 $0xE000  }
0x5a: {  	[tilespmem:s0], [sflag:$0x2] =	stream.indirect_vreg.gather [hbm4b:s7+s2], $0x80, v3, vm0, $0xb8;
	[tilespmem:$0x10800] =	vst v63  }
0x5b: {  	s0 =	simm.s32 $0xE800  }
0x5c: {  	[tilespmem:s0], [sflag:$0x2] =	stream.indirect_vreg.gather [hbm4b:s8+s2], $0x80, v3, vm0, $0xb8;
	[tilespmem:$0x10800] =	vst v63  }
0x5d: {  	s0 =	simm.s32 $0xF000  }
0x5e: {  	[tilespmem:s0], [sflag:$0x2] =	stream.indirect_vreg.gather [hbm4b:s9+s2], $0x80, v3, vm0, $0xb8;
	[tilespmem:$0x10800] =	vst v63  }
0x5f: {  	s0 =	simm.s32 $0xF800  }
0x60: {  	[tilespmem:s0], [sflag:$0x2] =	stream.indirect_vreg.gather [hbm4b:s10+s2], $0x80, v3, vm0, $0xb8;
	[tilespmem:$0x10800] =	vst v63  }
0x61: {  	s0 =	simm.s32 $0x10000  }
0x62: {  	[tilespmem:s0], [sflag:$0x2] =	stream.indirect_vreg.gather [hbm4b:s11+s2], $0x80, v3, vm0, $0xb8;
	[tilespmem:$0x10800] =	vst v63  }
0x63: {  	_ =	swait.ge [sflag:s26], $0x8000  }
0x64: {  	[sflag:s26] =	ssyncset.done $0x0  }
0x65: {  	s0 =	rddreg [dreg:$0xc];
	[sflag:s26] =	ssyncadd.s32 $0xFFFF8000  }
0x66: {  	[hbm4b:s0+s2] =	stream.linear.scatter [tilespmem:s14], [sflag:$0x3], $0x8000, $0x38;
	[tilespmem:$0x10800] =	vst v63  }
0x67: {  	_ =	swait.ge [sflag:s28], $0x8000  }
0x68: {  	[sflag:s28] =	ssyncset.done $0x0  }
0x69: {  	[sflag:s28] =	ssyncadd.s32 $0xFFFF8000  }
0x6a: {  	v3 =	vld [tilespmem:$0x100];
	_ =	sdelay $0x4  }
0x6b: {  	v56 =	vshll.u32 v3, $0x4  }
0x6c: {  	v3 =	vand.u32 $0x7, v3;
	v4 =	vand.u32 $0xFFFFFF80, v56  }
0x6d: {  	v3 =	vor.u32 v3, v4  }
0x6e: {  	v4 =	vperm.xlane v3, v0;
	_ =	sdelay $0x1  }
0x6f: {  	v4 =	vadd.s32 v1, v4;
	_ =	sdelay $0x4  }
0x70: {  	[tilespmem:s14], [sflag:$0x1] =	stream.indirect_vreg.gather [hbm4b:s3+s2], $0x80, v4, vm0, $0xb8;
	[tilespmem:$0x10800] =	vst v63  }
0x71: {  	s24 =	simm.s32 $0x1000  }
0x72: {  	[tilespmem:s24], [sflag:$0x1] =	stream.indirect_vreg.gather [hbm4b:s5+s2], $0x80, v4, vm0, $0xb8;
	[tilespmem:$0x10800] =	vst v63  }
0x73: {  	s25 =	simm.s32 $0x1800  }
0x74: {  	[tilespmem:s25], [sflag:$0x1] =	stream.indirect_vreg.gather [hbm4b:s6+s2], $0x80, v4, vm0, $0xb8;
	[tilespmem:$0x10800] =	vst v63  }
0x75: {  	s25 =	simm.s32 $0x2000  }
0x76: {  	[tilespmem:s25], [sflag:$0x1] =	stream.indirect_vreg.gather [hbm4b:s7+s2], $0x80, v4, vm0, $0xb8;
	[tilespmem:$0x10800] =	vst v63  }
0x77: {  	s1 =	simm.s32 $0x2800  }
0x78: {  	[tilespmem:s1], [sflag:$0x1] =	stream.indirect_vreg.gather [hbm4b:s8+s2], $0x80, v4, vm0, $0xb8;
	[tilespmem:$0x10800] =	vst v63  }
0x79: {  	s4 =	simm.s32 $0x3000;
	v3 =	vperm.xlane v3, v2  }
0x7a: {  	[tilespmem:s4], [sflag:$0x1] =	stream.indirect_vreg.gather [hbm4b:s9+s2], $0x80, v4, vm0, $0xb8;
	[tilespmem:$0x10800] =	vst v63  }
0x7b: {  	s15 =	simm.s32 $0x3800;
	v3 =	vadd.s32 v1, v3  }
0x7c: {  	[tilespmem:s15], [sflag:$0x1] =	stream.indirect_vreg.gather [hbm4b:s10+s2], $0x80, v4, vm0, $0xb8;
	[tilespmem:$0x10800] =	vst v63  }
0x7d: {  	s16 =	simm.s32 $0x4000  }
0x7e: {  	[tilespmem:s16], [sflag:$0x1] =	stream.indirect_vreg.gather [hbm4b:s11+s2], $0x80, v4, vm0, $0xb8;
	[tilespmem:$0x10800] =	vst v63  }
0x7f: {  	s17 =	simm.s32 $0x4800  }
0x80: {  	[tilespmem:s17], [sflag:$0x1] =	stream.indirect_vreg.gather [hbm4b:s3+s2], $0x80, v3, vm0, $0xb8;
	[tilespmem:$0x10800] =	vst v63  }
0x81: {  	s18 =	simm.s32 $0x5000  }
0x82: {  	[tilespmem:s18], [sflag:$0x1] =	stream.indirect_vreg.gather [hbm4b:s5+s2], $0x80, v3, vm0, $0xb8;
	[tilespmem:$0x10800] =	vst v63  }
0x83: {  	s19 =	simm.s32 $0x5800  }
0x84: {  	[tilespmem:s19], [sflag:$0x1] =	stream.indirect_vreg.gather [hbm4b:s6+s2], $0x80, v3, vm0, $0xb8;
	[tilespmem:$0x10800] =	vst v63  }
0x85: {  	s20 =	simm.s32 $0x6000  }
0x86: {  	[tilespmem:s20], [sflag:$0x1] =	stream.indirect_vreg.gather [hbm4b:s7+s2], $0x80, v3, vm0, $0xb8;
	[tilespmem:$0x10800] =	vst v63  }
0x87: {  	s21 =	simm.s32 $0x6800  }
0x88: {  	[tilespmem:s21], [sflag:$0x1] =	stream.indirect_vreg.gather [hbm4b:s8+s2], $0x80, v3, vm0, $0xb8;
	[tilespmem:$0x10800] =	vst v63  }
0x89: {  	s22 =	simm.s32 $0x7000  }
0x8a: {  	[tilespmem:s22], [sflag:$0x1] =	stream.indirect_vreg.gather [hbm4b:s9+s2], $0x80, v3, vm0, $0xb8;
	[tilespmem:$0x10800] =	vst v63  }
0x8b: {  	s23 =	simm.s32 $0x7800  }
0x8c: {  	[tilespmem:s23], [sflag:$0x1] =	stream.indirect_vreg.gather [hbm4b:s10+s2], $0x80, v3, vm0, $0xb8;
	[tilespmem:$0x10800] =	vst v63  }
0x8d: {  	s13 =	simm.s32 $0x8000  }
0x8e: {  	[tilespmem:s13], [sflag:$0x1] =	stream.indirect_vreg.gather [hbm4b:s11+s2], $0x80, v3, vm0, $0xb8;
	[tilespmem:$0x10800] =	vst v63  }
0x8f: {  	_ =	swait.ge [sflag:s29], $0x8000  }
0x90: {  	[sflag:s29] =	ssyncset.done $0x0  }
0x91: {  	s1 =	rddreg [dreg:$0x3];
	[sflag:s29] =	ssyncadd.s32 $0xFFFF8000  }
0x92: {  	[hbm4b:s1+s2] =	stream.linear.scatter [tilespmem:s31], [sflag:$0x4], $0x8000, $0x38;
	[tilespmem:$0x10800] =	vst v63  }
0x93: {  	_ =	swait.ge [sflag:s30], $0x8000  }
0x94: {  	[sflag:s30] =	ssyncset.done $0x0  }
0x95: {  	[sflag:s30] =	ssyncadd.s32 $0xFFFF8000  }
0x96: {  	v3 =	vld [tilespmem:$0x180];
	_ =	sdelay $0x4  }
0x97: {  	v57 =	vshll.u32 v3, $0x4  }
0x98: {  	v3 =	vand.u32 $0x7, v3;
	v4 =	vand.u32 $0xFFFFFF80, v57  }
0x99: {  	v3 =	vor.u32 v3, v4  }
0x9a: {  	v4 =	vperm.xlane v3, v0;
	_ =	sdelay $0x1  }
0x9b: {  	v4 =	vadd.s32 v1, v4;
	_ =	sdelay $0x4  }
0x9c: {  	[tilespmem:s31], [sflag:$0x2] =	stream.indirect_vreg.gather [hbm4b:s3+s2], $0x80, v4, vm0, $0xb8;
	[tilespmem:$0x10800] =	vst v63  }
0x9d: {  	s4 =	simm.s32 $0x9000  }
0x9e: {  	[tilespmem:s4], [sflag:$0x2] =	stream.indirect_vreg.gather [hbm4b:s5+s2], $0x80, v4, vm0, $0xb8;
	[tilespmem:$0x10800] =	vst v63  }
0x9f: {  	s13 =	simm.s32 $0x9800  }
0xa0: {  	[tilespmem:s13], [sflag:$0x2] =	stream.indirect_vreg.gather [hbm4b:s6+s2], $0x80, v4, vm0, $0xb8;
	[tilespmem:$0x10800] =	vst v63  }
0xa1: {  	s15 =	simm.s32 $0xA000  }
0xa2: {  	[tilespmem:s15], [sflag:$0x2] =	stream.indirect_vreg.gather [hbm4b:s7+s2], $0x80, v4, vm0, $0xb8;
	[tilespmem:$0x10800] =	vst v63  }
0xa3: {  	s16 =	simm.s32 $0xA800  }
0xa4: {  	[tilespmem:s16], [sflag:$0x2] =	stream.indirect_vreg.gather [hbm4b:s8+s2], $0x80, v4, vm0, $0xb8;
	[tilespmem:$0x10800] =	vst v63  }
0xa5: {  	s17 =	simm.s32 $0xB000;
	v3 =	vperm.xlane v3, v2  }
0xa6: {  	[tilespmem:s17], [sflag:$0x2] =	stream.indirect_vreg.gather [hbm4b:s9+s2], $0x80, v4, vm0, $0xb8;
	[tilespmem:$0x10800] =	vst v63  }
0xa7: {  	s18 =	simm.s32 $0xB800;
	v3 =	vadd.s32 v1, v3  }
0xa8: {  	[tilespmem:s18], [sflag:$0x2] =	stream.indirect_vreg.gather [hbm4b:s10+s2], $0x80, v4, vm0, $0xb8;
	[tilespmem:$0x10800] =	vst v63  }
0xa9: {  	s19 =	simm.s32 $0xC000  }
0xaa: {  	[tilespmem:s19], [sflag:$0x2] =	stream.indirect_vreg.gather [hbm4b:s11+s2], $0x80, v4, vm0, $0xb8;
	[tilespmem:$0x10800] =	vst v63  }
0xab: {  	s20 =	simm.s32 $0xC800  }
0xac: {  	[tilespmem:s20], [sflag:$0x2] =	stream.indirect_vreg.gather [hbm4b:s3+s2], $0x80, v3, vm0, $0xb8;
	[tilespmem:$0x10800] =	vst v63  }
0xad: {  	s22 =	simm.s32 $0xD000  }
0xae: {  	[tilespmem:s22], [sflag:$0x2] =	stream.indirect_vreg.gather [hbm4b:s5+s2], $0x80, v3, vm0, $0xb8;
	[tilespmem:$0x10800] =	vst v63  }
0xaf: {  	s23 =	simm.s32 $0xD800  }
0xb0: {  	[tilespmem:s23], [sflag:$0x2] =	stream.indirect_vreg.gather [hbm4b:s6+s2], $0x80, v3, vm0, $0xb8;
	[tilespmem:$0x10800] =	vst v63  }
0xb1: {  	s25 =	simm.s32 $0xE000  }
0xb2: {  	[tilespmem:s25], [sflag:$0x2] =	stream.indirect_vreg.gather [hbm4b:s7+s2], $0x80, v3, vm0, $0xb8;
	[tilespmem:$0x10800] =	vst v63  }
0xb3: {  	s18 =	simm.s32 $0xE800  }
0xb4: {  	[tilespmem:s18], [sflag:$0x2] =	stream.indirect_vreg.gather [hbm4b:s8+s2], $0x80, v3, vm0, $0xb8;
	[tilespmem:$0x10800] =	vst v63  }
0xb5: {  	s22 =	simm.s32 $0xF000  }
0xb6: {  	[tilespmem:s22], [sflag:$0x2] =	stream.indirect_vreg.gather [hbm4b:s9+s2], $0x80, v3, vm0, $0xb8;
	[tilespmem:$0x10800] =	vst v63  }
0xb7: {  	s23 =	simm.s32 $0xF800  }
0xb8: {  	[tilespmem:s23], [sflag:$0x2] =	stream.indirect_vreg.gather [hbm4b:s10+s2], $0x80, v3, vm0, $0xb8;
	[tilespmem:$0x10800] =	vst v63  }
0xb9: {  	s25 =	simm.s32 $0x10000  }
0xba: {  	[tilespmem:s25], [sflag:$0x2] =	stream.indirect_vreg.gather [hbm4b:s11+s2], $0x80, v3, vm0, $0xb8;
	[tilespmem:$0x10800] =	vst v63  }
0xbb: {  	_ =	swait.ge [sflag:s26], $0x8000  }
0xbc: {  	[sflag:s26] =	ssyncset.done $0x0  }
0xbd: {  	s0 =	rddreg [dreg:$0x4];
	[sflag:s26] =	ssyncadd.s32 $0xFFFF8000  }
0xbe: {  	[hbm4b:s0+s2] =	stream.linear.scatter [tilespmem:s14], [sflag:$0x3], $0x8000, $0x38;
	[tilespmem:$0x10800] =	vst v63  }
0xbf: {  	_ =	swait.ge [sflag:s28], $0x8000  }
0xc0: {  	[sflag:s28] =	ssyncset.done $0x0  }
0xc1: {  	[sflag:s28] =	ssyncadd.s32 $0xFFFF8000  }
0xc2: {  	v3 =	vld [tilespmem:$0x200];
	_ =	sdelay $0x4  }
0xc3: {  	v58 =	vshll.u32 v3, $0x4  }
0xc4: {  	v3 =	vand.u32 $0x7, v3;
	v4 =	vand.u32 $0xFFFFFF80, v58  }
0xc5: {  	v3 =	vor.u32 v3, v4  }
0xc6: {  	v4 =	vperm.xlane v3, v0;
	_ =	sdelay $0x1  }
0xc7: {  	v4 =	vadd.s32 v1, v4;
	_ =	sdelay $0x4  }
0xc8: {  	[tilespmem:s14], [sflag:$0x1] =	stream.indirect_vreg.gather [hbm4b:s3+s2], $0x80, v4, vm0, $0xb8;
	[tilespmem:$0x10800] =	vst v63  }
0xc9: {  	s0 =	simm.s32 $0x1000  }
0xca: {  	[tilespmem:s0], [sflag:$0x1] =	stream.indirect_vreg.gather [hbm4b:s5+s2], $0x80, v4, vm0, $0xb8;
	[tilespmem:$0x10800] =	vst v63  }
0xcb: {  	s0 =	simm.s32 $0x1800  }
0xcc: {  	[tilespmem:s0], [sflag:$0x1] =	stream.indirect_vreg.gather [hbm4b:s6+s2], $0x80, v4, vm0, $0xb8;
	[tilespmem:$0x10800] =	vst v63  }
0xcd: {  	s0 =	simm.s32 $0x2000  }
0xce: {  	[tilespmem:s0], [sflag:$0x1] =	stream.indirect_vreg.gather [hbm4b:s7+s2], $0x80, v4, vm0, $0xb8;
	[tilespmem:$0x10800] =	vst v63  }
0xcf: {  	s0 =	simm.s32 $0x2800  }
0xd0: {  	[tilespmem:s0], [sflag:$0x1] =	stream.indirect_vreg.gather [hbm4b:s8+s2], $0x80, v4, vm0, $0xb8;
	[tilespmem:$0x10800] =	vst v63  }
0xd1: {  	v3 =	vperm.xlane v3, v2;
	s0 =	simm.s32 $0x3000  }
0xd2: {  	[tilespmem:s0], [sflag:$0x1] =	stream.indirect_vreg.gather [hbm4b:s9+s2], $0x80, v4, vm0, $0xb8;
	[tilespmem:$0x10800] =	vst v63  }
0xd3: {  	v3 =	vadd.s32 v1, v3;
	s0 =	simm.s32 $0x3800  }
0xd4: {  	[tilespmem:s0], [sflag:$0x1] =	stream.indirect_vreg.gather [hbm4b:s10+s2], $0x80, v4, vm0, $0xb8;
	[tilespmem:$0x10800] =	vst v63  }
0xd5: {  	s0 =	simm.s32 $0x4000  }
0xd6: {  	[tilespmem:s0], [sflag:$0x1] =	stream.indirect_vreg.gather [hbm4b:s11+s2], $0x80, v4, vm0, $0xb8;
	[tilespmem:$0x10800] =	vst v63  }
0xd7: {  	s0 =	simm.s32 $0x4800  }
0xd8: {  	[tilespmem:s0], [sflag:$0x1] =	stream.indirect_vreg.gather [hbm4b:s3+s2], $0x80, v3, vm0, $0xb8;
	[tilespmem:$0x10800] =	vst v63  }
0xd9: {  	s0 =	simm.s32 $0x5000  }
0xda: {  	[tilespmem:s0], [sflag:$0x1] =	stream.indirect_vreg.gather [hbm4b:s5+s2], $0x80, v3, vm0, $0xb8;
	[tilespmem:$0x10800] =	vst v63  }
0xdb: {  	s0 =	simm.s32 $0x5800  }
0xdc: {  	[tilespmem:s0], [sflag:$0x1] =	stream.indirect_vreg.gather [hbm4b:s6+s2], $0x80, v3, vm0, $0xb8;
	[tilespmem:$0x10800] =	vst v63  }
0xdd: {  	s0 =	simm.s32 $0x6000  }
0xde: {  	[tilespmem:s0], [sflag:$0x1] =	stream.indirect_vreg.gather [hbm4b:s7+s2], $0x80, v3, vm0, $0xb8;
	[tilespmem:$0x10800] =	vst v63  }
0xdf: {  	s0 =	simm.s32 $0x6800  }
0xe0: {  	[tilespmem:s0], [sflag:$0x1] =	stream.indirect_vreg.gather [hbm4b:s8+s2], $0x80, v3, vm0, $0xb8;
	[tilespmem:$0x10800] =	vst v63  }
0xe1: {  	s0 =	simm.s32 $0x7000  }
0xe2: {  	[tilespmem:s0], [sflag:$0x1] =	stream.indirect_vreg.gather [hbm4b:s9+s2], $0x80, v3, vm0, $0xb8;
	[tilespmem:$0x10800] =	vst v63  }
0xe3: {  	s0 =	simm.s32 $0x7800  }
0xe4: {  	[tilespmem:s0], [sflag:$0x1] =	stream.indirect_vreg.gather [hbm4b:s10+s2], $0x80, v3, vm0, $0xb8;
	[tilespmem:$0x10800] =	vst v63  }
0xe5: {  	s0 =	simm.s32 $0x8000  }
0xe6: {  	[tilespmem:s0], [sflag:$0x1] =	stream.indirect_vreg.gather [hbm4b:s11+s2], $0x80, v3, vm0, $0xb8;
	[tilespmem:$0x10800] =	vst v63  }
0xe7: {  	_ =	swait.ge [sflag:s29], $0x8000  }
0xe8: {  	[sflag:s29] =	ssyncset.done $0x0  }
0xe9: {  	s0 =	rddreg [dreg:$0x5];
	[sflag:s29] =	ssyncadd.s32 $0xFFFF8000  }
0xea: {  	[hbm4b:s0+s2] =	stream.linear.scatter [tilespmem:s31], [sflag:$0x4], $0x8000, $0x38;
	[tilespmem:$0x10800] =	vst v63  }
0xeb: {  	_ =	swait.ge [sflag:s30], $0x8000  }
0xec: {  	[sflag:s30] =	ssyncset.done $0x0  }
0xed: {  	[sflag:s30] =	ssyncadd.s32 $0xFFFF8000  }
0xee: {  	v3 =	vld [tilespmem:$0x280];
	_ =	sdelay $0x4  }
0xef: {  	v59 =	vshll.u32 v3, $0x4  }
0xf0: {  	v3 =	vand.u32 $0x7, v3;
	v4 =	vand.u32 $0xFFFFFF80, v59  }
0xf1: {  	v3 =	vor.u32 v3, v4  }
0xf2: {  	v4 =	vperm.xlane v3, v0;
	_ =	sdelay $0x1  }
0xf3: {  	v4 =	vadd.s32 v1, v4;
	_ =	sdelay $0x4  }
0xf4: {  	[tilespmem:s31], [sflag:$0x2] =	stream.indirect_vreg.gather [hbm4b:s3+s2], $0x80, v4, vm0, $0xb8;
	[tilespmem:$0x10800] =	vst v63  }
0xf5: {  	s1 =	simm.s32 $0x9000  }
0xf6: {  	[tilespmem:s1], [sflag:$0x2] =	stream.indirect_vreg.gather [hbm4b:s5+s2], $0x80, v4, vm0, $0xb8;
	[tilespmem:$0x10800] =	vst v63  }
0xf7: {  	s4 =	simm.s32 $0x9800  }
0xf8: {  	[tilespmem:s4], [sflag:$0x2] =	stream.indirect_vreg.gather [hbm4b:s6+s2], $0x80, v4, vm0, $0xb8;
	[tilespmem:$0x10800] =	vst v63  }
0xf9: {  	s13 =	simm.s32 $0xA000  }
0xfa: {  	[tilespmem:s13], [sflag:$0x2] =	stream.indirect_vreg.gather [hbm4b:s7+s2], $0x80, v4, vm0, $0xb8;
	[tilespmem:$0x10800] =	vst v63  }
0xfb: {  	s21 =	simm.s32 $0xA800  }
0xfc: {  	[tilespmem:s21], [sflag:$0x2] =	stream.indirect_vreg.gather [hbm4b:s8+s2], $0x80, v4, vm0, $0xb8;
	[tilespmem:$0x10800] =	vst v63  }
0xfd: {  	s24 =	simm.s32 $0xB000;
	v3 =	vperm.xlane v3, v2  }
0xfe: {  	[tilespmem:s24], [sflag:$0x2] =	stream.indirect_vreg.gather [hbm4b:s9+s2], $0x80, v4, vm0, $0xb8;
	[tilespmem:$0x10800] =	vst v63  }
0xff: {  	v3 =	vadd.s32 v1, v3;
	s13 =	simm.s32 $0xB800  }
0x100: {  	[tilespmem:s13], [sflag:$0x2] =	stream.indirect_vreg.gather [hbm4b:s10+s2], $0x80, v4, vm0, $0xb8;
	[tilespmem:$0x10800] =	vst v63  }
0x101: {  	s16 =	simm.s32 $0xC000  }
0x102: {  	[tilespmem:s16], [sflag:$0x2] =	stream.indirect_vreg.gather [hbm4b:s11+s2], $0x80, v4, vm0, $0xb8;
	[tilespmem:$0x10800] =	vst v63  }
0x103: {  	s17 =	simm.s32 $0xC800  }
0x104: {  	[tilespmem:s17], [sflag:$0x2] =	stream.indirect_vreg.gather [hbm4b:s3+s2], $0x80, v3, vm0, $0xb8;
	[tilespmem:$0x10800] =	vst v63  }
0x105: {  	s15 =	simm.s32 $0xD000  }
0x106: {  	[tilespmem:s15], [sflag:$0x2] =	stream.indirect_vreg.gather [hbm4b:s5+s2], $0x80, v3, vm0, $0xb8;
	[tilespmem:$0x10800] =	vst v63  }
0x107: {  	s19 =	simm.s32 $0xD800  }
0x108: {  	[tilespmem:s19], [sflag:$0x2] =	stream.indirect_vreg.gather [hbm4b:s6+s2], $0x80, v3, vm0, $0xb8;
	[tilespmem:$0x10800] =	vst v63  }
0x109: {  	s20 =	simm.s32 $0xE000  }
0x10a: {  	[tilespmem:s20], [sflag:$0x2] =	stream.indirect_vreg.gather [hbm4b:s7+s2], $0x80, v3, vm0, $0xb8;
	[tilespmem:$0x10800] =	vst v63  }
0x10b: {  	s18 =	simm.s32 $0xE800  }
0x10c: {  	[tilespmem:s18], [sflag:$0x2] =	stream.indirect_vreg.gather [hbm4b:s8+s2], $0x80, v3, vm0, $0xb8;
	[tilespmem:$0x10800] =	vst v63  }
0x10d: {  	s22 =	simm.s32 $0xF000  }
0x10e: {  	[tilespmem:s22], [sflag:$0x2] =	stream.indirect_vreg.gather [hbm4b:s9+s2], $0x80, v3, vm0, $0xb8;
	[tilespmem:$0x10800] =	vst v63  }
0x10f: {  	s23 =	simm.s32 $0xF800  }
0x110: {  	[tilespmem:s23], [sflag:$0x2] =	stream.indirect_vreg.gather [hbm4b:s10+s2], $0x80, v3, vm0, $0xb8;
	[tilespmem:$0x10800] =	vst v63  }
0x111: {  	s25 =	simm.s32 $0x10000  }
0x112: {  	[tilespmem:s25], [sflag:$0x2] =	stream.indirect_vreg.gather [hbm4b:s11+s2], $0x80, v3, vm0, $0xb8;
	[tilespmem:$0x10800] =	vst v63  }
0x113: {  	_ =	swait.ge [sflag:s26], $0x8000  }
0x114: {  	[sflag:s26] =	ssyncset.done $0x0  }
0x115: {  	s18 =	rddreg [dreg:$0x6];
	[sflag:s26] =	ssyncadd.s32 $0xFFFF8000  }
0x116: {  	[hbm4b:s18+s2] =	stream.linear.scatter [tilespmem:s14], [sflag:$0x3], $0x8000, $0x38;
	[tilespmem:$0x10800] =	vst v63  }
0x117: {  	_ =	swait.ge [sflag:s28], $0x8000  }
0x118: {  	[sflag:s28] =	ssyncset.done $0x0  }
0x119: {  	[sflag:s28] =	ssyncadd.s32 $0xFFFF8000  }
0x11a: {  	v3 =	vld [tilespmem:$0x300];
	_ =	sdelay $0x4  }
0x11b: {  	v60 =	vshll.u32 v3, $0x4  }
0x11c: {  	v3 =	vand.u32 $0x7, v3;
	v4 =	vand.u32 $0xFFFFFF80, v60  }
0x11d: {  	v3 =	vor.u32 v3, v4  }
0x11e: {  	v4 =	vperm.xlane v3, v0;
	_ =	sdelay $0x1  }
0x11f: {  	v4 =	vadd.s32 v1, v4;
	_ =	sdelay $0x4  }
0x120: {  	[tilespmem:s14], [sflag:$0x1] =	stream.indirect_vreg.gather [hbm4b:s3+s2], $0x80, v4, vm0, $0xb8;
	[tilespmem:$0x10800] =	vst v63  }
0x121: {  	s20 =	simm.s32 $0x1000  }
0x122: {  	[tilespmem:s20], [sflag:$0x1] =	stream.indirect_vreg.gather [hbm4b:s5+s2], $0x80, v4, vm0, $0xb8;
	[tilespmem:$0x10800] =	vst v63  }
0x123: {  	s22 =	simm.s32 $0x1800  }
0x124: {  	[tilespmem:s22], [sflag:$0x1] =	stream.indirect_vreg.gather [hbm4b:s6+s2], $0x80, v4, vm0, $0xb8;
	[tilespmem:$0x10800] =	vst v63  }
0x125: {  	s23 =	simm.s32 $0x2000  }
0x126: {  	[tilespmem:s23], [sflag:$0x1] =	stream.indirect_vreg.gather [hbm4b:s7+s2], $0x80, v4, vm0, $0xb8;
	[tilespmem:$0x10800] =	vst v63  }
0x127: {  	s25 =	simm.s32 $0x2800  }
0x128: {  	[tilespmem:s25], [sflag:$0x1] =	stream.indirect_vreg.gather [hbm4b:s8+s2], $0x80, v4, vm0, $0xb8;
	[tilespmem:$0x10800] =	vst v63  }
0x129: {  	s4 =	simm.s32 $0x3000;
	v3 =	vperm.xlane v3, v2  }
0x12a: {  	[tilespmem:s4], [sflag:$0x1] =	stream.indirect_vreg.gather [hbm4b:s9+s2], $0x80, v4, vm0, $0xb8;
	[tilespmem:$0x10800] =	vst v63  }
0x12b: {  	s13 =	simm.s32 $0x3800;
	v3 =	vadd.s32 v1, v3  }
0x12c: {  	[tilespmem:s13], [sflag:$0x1] =	stream.indirect_vreg.gather [hbm4b:s10+s2], $0x80, v4, vm0, $0xb8;
	[tilespmem:$0x10800] =	vst v63  }
0x12d: {  	s15 =	simm.s32 $0x4000  }
0x12e: {  	[tilespmem:s15], [sflag:$0x1] =	stream.indirect_vreg.gather [hbm4b:s11+s2], $0x80, v4, vm0, $0xb8;
	[tilespmem:$0x10800] =	vst v63  }
0x12f: {  	s17 =	simm.s32 $0x4800  }
0x130: {  	[tilespmem:s17], [sflag:$0x1] =	stream.indirect_vreg.gather [hbm4b:s3+s2], $0x80, v3, vm0, $0xb8;
	[tilespmem:$0x10800] =	vst v63  }
0x131: {  	s18 =	simm.s32 $0x5000  }
0x132: {  	[tilespmem:s18], [sflag:$0x1] =	stream.indirect_vreg.gather [hbm4b:s5+s2], $0x80, v3, vm0, $0xb8;
	[tilespmem:$0x10800] =	vst v63  }
0x133: {  	s20 =	simm.s32 $0x5800  }
0x134: {  	[tilespmem:s20], [sflag:$0x1] =	stream.indirect_vreg.gather [hbm4b:s6+s2], $0x80, v3, vm0, $0xb8;
	[tilespmem:$0x10800] =	vst v63  }
0x135: {  	s22 =	simm.s32 $0x6000  }
0x136: {  	[tilespmem:s22], [sflag:$0x1] =	stream.indirect_vreg.gather [hbm4b:s7+s2], $0x80, v3, vm0, $0xb8;
	[tilespmem:$0x10800] =	vst v63  }
0x137: {  	s23 =	simm.s32 $0x6800  }
0x138: {  	[tilespmem:s23], [sflag:$0x1] =	stream.indirect_vreg.gather [hbm4b:s8+s2], $0x80, v3, vm0, $0xb8;
	[tilespmem:$0x10800] =	vst v63  }
0x139: {  	s25 =	simm.s32 $0x7000  }
0x13a: {  	[tilespmem:s25], [sflag:$0x1] =	stream.indirect_vreg.gather [hbm4b:s9+s2], $0x80, v3, vm0, $0xb8;
	[tilespmem:$0x10800] =	vst v63  }
0x13b: {  	s4 =	simm.s32 $0x7800  }
0x13c: {  	[tilespmem:s4], [sflag:$0x1] =	stream.indirect_vreg.gather [hbm4b:s10+s2], $0x80, v3, vm0, $0xb8;
	[tilespmem:$0x10800] =	vst v63  }
0x13d: {  	s13 =	simm.s32 $0x8000  }
0x13e: {  	[tilespmem:s13], [sflag:$0x1] =	stream.indirect_vreg.gather [hbm4b:s11+s2], $0x80, v3, vm0, $0xb8;
	[tilespmem:$0x10800] =	vst v63  }
0x13f: {  	_ =	swait.ge [sflag:s29], $0x8000  }
0x140: {  	[sflag:s29] =	ssyncset.done $0x0  }
0x141: {  	s15 =	rddreg [dreg:$0x7];
	[sflag:s29] =	ssyncadd.s32 $0xFFFF8000  }
0x142: {  	[hbm4b:s15+s2] =	stream.linear.scatter [tilespmem:s31], [sflag:$0x4], $0x8000, $0x38;
	[tilespmem:$0x10800] =	vst v63  }
0x143: {  	_ =	swait.ge [sflag:s30], $0x8000  }
0x144: {  	[sflag:s30] =	ssyncset.done $0x0  }
0x145: {  	[sflag:s30] =	ssyncadd.s32 $0xFFFF8000  }
0x146: {  	v3 =	vld [tilespmem:$0x380];
	_ =	sdelay $0x4  }
0x147: {  	v61 =	vshll.u32 v3, $0x4  }
0x148: {  	v3 =	vand.u32 $0x7, v3;
	v4 =	vand.u32 $0xFFFFFF80, v61  }
0x149: {  	v3 =	vor.u32 v3, v4  }
0x14a: {  	v4 =	vperm.xlane v3, v0;
	_ =	sdelay $0x1  }
0x14b: {  	v4 =	vadd.s32 v1, v4;
	_ =	sdelay $0x4  }
0x14c: {  	[tilespmem:s31], [sflag:$0x2] =	stream.indirect_vreg.gather [hbm4b:s3+s2], $0x80, v4, vm0, $0xb8;
	[tilespmem:$0x10800] =	vst v63  }
0x14d: {  	s17 =	simm.s32 $0x9000  }
0x14e: {  	[tilespmem:s17], [sflag:$0x2] =	stream.indirect_vreg.gather [hbm4b:s5+s2], $0x80, v4, vm0, $0xb8;
	[tilespmem:$0x10800] =	vst v63  }
0x14f: {  	s18 =	simm.s32 $0x9800  }
0x150: {  	[tilespmem:s18], [sflag:$0x2] =	stream.indirect_vreg.gather [hbm4b:s6+s2], $0x80, v4, vm0, $0xb8;
	[tilespmem:$0x10800] =	vst v63  }
0x151: {  	s20 =	simm.s32 $0xA000  }
0x152: {  	[tilespmem:s20], [sflag:$0x2] =	stream.indirect_vreg.gather [hbm4b:s7+s2], $0x80, v4, vm0, $0xb8;
	[tilespmem:$0x10800] =	vst v63  }
0x153: {  	s22 =	simm.s32 $0xA800  }
0x154: {  	[tilespmem:s22], [sflag:$0x2] =	stream.indirect_vreg.gather [hbm4b:s8+s2], $0x80, v4, vm0, $0xb8;
	[tilespmem:$0x10800] =	vst v63  }
0x155: {  	s23 =	simm.s32 $0xB000;
	v3 =	vperm.xlane v3, v2  }
0x156: {  	[tilespmem:s23], [sflag:$0x2] =	stream.indirect_vreg.gather [hbm4b:s9+s2], $0x80, v4, vm0, $0xb8;
	[tilespmem:$0x10800] =	vst v63  }
0x157: {  	s1 =	simm.s32 $0xB800;
	v3 =	vadd.s32 v1, v3  }
0x158: {  	[tilespmem:s1], [sflag:$0x2] =	stream.indirect_vreg.gather [hbm4b:s10+s2], $0x80, v4, vm0, $0xb8;
	[tilespmem:$0x10800] =	vst v63  }
0x159: {  	s21 =	simm.s32 $0xC000  }
0x15a: {  	[tilespmem:s21], [sflag:$0x2] =	stream.indirect_vreg.gather [hbm4b:s11+s2], $0x80, v4, vm0, $0xb8;
	[tilespmem:$0x10800] =	vst v63  }
0x15b: {  	s24 =	simm.s32 $0xC800  }
0x15c: {  	[tilespmem:s24], [sflag:$0x2] =	stream.indirect_vreg.gather [hbm4b:s3+s2], $0x80, v3, vm0, $0xb8;
	[tilespmem:$0x10800] =	vst v63  }
0x15d: {  	s16 =	simm.s32 $0xD000  }
0x15e: {  	[tilespmem:s16], [sflag:$0x2] =	stream.indirect_vreg.gather [hbm4b:s5+s2], $0x80, v3, vm0, $0xb8;
	[tilespmem:$0x10800] =	vst v63  }
0x15f: {  	s24 =	simm.s32 $0xD800  }
0x160: {  	[tilespmem:s24], [sflag:$0x2] =	stream.indirect_vreg.gather [hbm4b:s6+s2], $0x80, v3, vm0, $0xb8;
	[tilespmem:$0x10800] =	vst v63  }
0x161: {  	s25 =	simm.s32 $0xE000  }
0x162: {  	[tilespmem:s25], [sflag:$0x2] =	stream.indirect_vreg.gather [hbm4b:s7+s2], $0x80, v3, vm0, $0xb8;
	[tilespmem:$0x10800] =	vst v63  }
0x163: {  	s19 =	simm.s32 $0xE800  }
0x164: {  	[tilespmem:s19], [sflag:$0x2] =	stream.indirect_vreg.gather [hbm4b:s8+s2], $0x80, v3, vm0, $0xb8;
	[tilespmem:$0x10800] =	vst v63  }
0x165: {  	s19 =	simm.s32 $0xF000  }
0x166: {  	[tilespmem:s19], [sflag:$0x2] =	stream.indirect_vreg.gather [hbm4b:s9+s2], $0x80, v3, vm0, $0xb8;
	[tilespmem:$0x10800] =	vst v63  }
0x167: {  	s25 =	simm.s32 $0xF800  }
0x168: {  	[tilespmem:s25], [sflag:$0x2] =	stream.indirect_vreg.gather [hbm4b:s10+s2], $0x80, v3, vm0, $0xb8;
	[tilespmem:$0x10800] =	vst v63  }
0x169: {  	s0 =	simm.s32 $0x10000  }
0x16a: {  	[tilespmem:s0], [sflag:$0x2] =	stream.indirect_vreg.gather [hbm4b:s11+s2], $0x80, v3, vm0, $0xb8;
	[tilespmem:$0x10800] =	vst v63  }
0x16b: {  	_ =	swait.ge [sflag:s26], $0x8000  }
0x16c: {  	[sflag:s26] =	ssyncset.done $0x0  }
0x16d: {  	s0 =	rddreg [dreg:$0x8];
	[sflag:s26] =	ssyncadd.s32 $0xFFFF8000  }
0x16e: {  	[hbm4b:s0+s2] =	stream.linear.scatter [tilespmem:s14], [sflag:$0x3], $0x8000, $0x38;
	[tilespmem:$0x10800] =	vst v63  }
0x16f: {  	_ =	swait.ge [sflag:s28], $0x8000  }
0x170: {  	[sflag:s28] =	ssyncset.done $0x0  }
0x171: {  	[sflag:s28] =	ssyncadd.s32 $0xFFFF8000  }
0x172: {  	v3 =	vld [tilespmem:$0x400];
	_ =	sdelay $0x4  }
0x173: {  	v62 =	vshll.u32 v3, $0x4  }
0x174: {  	v3 =	vand.u32 $0x7, v3;
	v4 =	vand.u32 $0xFFFFFF80, v62  }
0x175: {  	v3 =	vor.u32 v3, v4  }
0x176: {  	v4 =	vperm.xlane v3, v0;
	_ =	sdelay $0x1  }
0x177: {  	v4 =	vadd.s32 v1, v4;
	_ =	sdelay $0x4  }
0x178: {  	[tilespmem:s14], [sflag:$0x1] =	stream.indirect_vreg.gather [hbm4b:s3+s2], $0x80, v4, vm0, $0xb8;
	[tilespmem:$0x10800] =	vst v63  }
0x179: {  	s0 =	simm.s32 $0x1000  }
0x17a: {  	[tilespmem:s0], [sflag:$0x1] =	stream.indirect_vreg.gather [hbm4b:s5+s2], $0x80, v4, vm0, $0xb8;
	[tilespmem:$0x10800] =	vst v63  }
0x17b: {  	s0 =	simm.s32 $0x1800  }
0x17c: {  	[tilespmem:s0], [sflag:$0x1] =	stream.indirect_vreg.gather [hbm4b:s6+s2], $0x80, v4, vm0, $0xb8;
	[tilespmem:$0x10800] =	vst v63  }
0x17d: {  	s0 =	simm.s32 $0x2000  }
0x17e: {  	[tilespmem:s0], [sflag:$0x1] =	stream.indirect_vreg.gather [hbm4b:s7+s2], $0x80, v4, vm0, $0xb8;
	[tilespmem:$0x10800] =	vst v63  }
0x17f: {  	s0 =	simm.s32 $0x2800  }
0x180: {  	[tilespmem:s0], [sflag:$0x1] =	stream.indirect_vreg.gather [hbm4b:s8+s2], $0x80, v4, vm0, $0xb8;
	[tilespmem:$0x10800] =	vst v63  }
0x181: {  	v3 =	vperm.xlane v3, v2;
	s0 =	simm.s32 $0x3000  }
0x182: {  	[tilespmem:s0], [sflag:$0x1] =	stream.indirect_vreg.gather [hbm4b:s9+s2], $0x80, v4, vm0, $0xb8;
	[tilespmem:$0x10800] =	vst v63  }
0x183: {  	v3 =	vadd.s32 v1, v3;
	s0 =	simm.s32 $0x3800  }
0x184: {  	[tilespmem:s0], [sflag:$0x1] =	stream.indirect_vreg.gather [hbm4b:s10+s2], $0x80, v4, vm0, $0xb8;
	[tilespmem:$0x10800] =	vst v63  }
0x185: {  	s0 =	simm.s32 $0x4000  }
0x186: {  	[tilespmem:s0], [sflag:$0x1] =	stream.indirect_vreg.gather [hbm4b:s11+s2], $0x80, v4, vm0, $0xb8;
	[tilespmem:$0x10800] =	vst v63  }
0x187: {  	s0 =	simm.s32 $0x4800  }
0x188: {  	[tilespmem:s0], [sflag:$0x1] =	stream.indirect_vreg.gather [hbm4b:s3+s2], $0x80, v3, vm0, $0xb8;
	[tilespmem:$0x10800] =	vst v63  }
0x189: {  	s0 =	simm.s32 $0x5000  }
0x18a: {  	[tilespmem:s0], [sflag:$0x1] =	stream.indirect_vreg.gather [hbm4b:s5+s2], $0x80, v3, vm0, $0xb8;
	[tilespmem:$0x10800] =	vst v63  }
0x18b: {  	s0 =	simm.s32 $0x5800  }
0x18c: {  	[tilespmem:s0], [sflag:$0x1] =	stream.indirect_vreg.gather [hbm4b:s6+s2], $0x80, v3, vm0, $0xb8;
	[tilespmem:$0x10800] =	vst v63  }
0x18d: {  	s0 =	simm.s32 $0x6000  }
0x18e: {  	[tilespmem:s0], [sflag:$0x1] =	stream.indirect_vreg.gather [hbm4b:s7+s2], $0x80, v3, vm0, $0xb8;
	[tilespmem:$0x10800] =	vst v63  }
0x18f: {  	s0 =	simm.s32 $0x6800  }
0x190: {  	[tilespmem:s0], [sflag:$0x1] =	stream.indirect_vreg.gather [hbm4b:s8+s2], $0x80, v3, vm0, $0xb8;
	[tilespmem:$0x10800] =	vst v63  }
0x191: {  	s0 =	simm.s32 $0x7000  }
0x192: {  	[tilespmem:s0], [sflag:$0x1] =	stream.indirect_vreg.gather [hbm4b:s9+s2], $0x80, v3, vm0, $0xb8;
	[tilespmem:$0x10800] =	vst v63  }
0x193: {  	s0 =	simm.s32 $0x7800  }
0x194: {  	[tilespmem:s0], [sflag:$0x1] =	stream.indirect_vreg.gather [hbm4b:s10+s2], $0x80, v3, vm0, $0xb8;
	[tilespmem:$0x10800] =	vst v63  }
0x195: {  	s0 =	simm.s32 $0x8000  }
0x196: {  	[tilespmem:s0], [sflag:$0x1] =	stream.indirect_vreg.gather [hbm4b:s11+s2], $0x80, v3, vm0, $0xb8;
	[tilespmem:$0x10800] =	vst v63  }
0x197: {  	_ =	swait.ge [sflag:s29], $0x8000  }
0x198: {  	[sflag:s29] =	ssyncset.done $0x0  }
0x199: {  	s0 =	rddreg [dreg:$0x9];
	[sflag:s29] =	ssyncadd.s32 $0xFFFF8000  }
0x19a: {  	[hbm4b:s0+s2] =	stream.linear.scatter [tilespmem:s31], [sflag:$0x4], $0x8000, $0x38;
	[tilespmem:$0x10800] =	vst v63  }
0x19b: {  	_ =	swait.ge [sflag:s30], $0x8000  }
0x19c: {  	[sflag:s30] =	ssyncset.done $0x0  }
0x19d: {  	[sflag:s30] =	ssyncadd.s32 $0xFFFF8000  }
0x19e: {  	v3 =	vld [tilespmem:$0x480];
	_ =	sdelay $0x4  }
0x19f: {  	v63 =	vshll.u32 v3, $0x4  }
0x1a0: {  	v3 =	vand.u32 $0x7, v3;
	v4 =	vand.u32 $0xFFFFFF80, v63  }
0x1a1: {  	v3 =	vor.u32 v3, v4  }
0x1a2: {  	v4 =	vperm.xlane v3, v0;
	_ =	sdelay $0x1  }
0x1a3: {  	v4 =	vadd.s32 v1, v4;
	_ =	sdelay $0x4  }
0x1a4: {  	[tilespmem:s31], [sflag:$0x2] =	stream.indirect_vreg.gather [hbm4b:s3+s2], $0x80, v4, vm0, $0xb8;
	[tilespmem:$0x10800] =	vst v63  }
0x1a5: {  	s4 =	simm.s32 $0x9000  }
0x1a6: {  	[tilespmem:s4], [sflag:$0x2] =	stream.indirect_vreg.gather [hbm4b:s5+s2], $0x80, v4, vm0, $0xb8;
	[tilespmem:$0x10800] =	vst v63  }
0x1a7: {  	s13 =	simm.s32 $0x9800  }
0x1a8: {  	[tilespmem:s13], [sflag:$0x2] =	stream.indirect_vreg.gather [hbm4b:s6+s2], $0x80, v4, vm0, $0xb8;
	[tilespmem:$0x10800] =	vst v63  }
0x1a9: {  	s15 =	simm.s32 $0xA000  }
0x1aa: {  	[tilespmem:s15], [sflag:$0x2] =	stream.indirect_vreg.gather [hbm4b:s7+s2], $0x80, v4, vm0, $0xb8;
	[tilespmem:$0x10800] =	vst v63  }
0x1ab: {  	s18 =	simm.s32 $0xA800  }
0x1ac: {  	[tilespmem:s18], [sflag:$0x2] =	stream.indirect_vreg.gather [hbm4b:s8+s2], $0x80, v4, vm0, $0xb8;
	[tilespmem:$0x10800] =	vst v63  }
0x1ad: {  	s23 =	simm.s32 $0xB000;
	v3 =	vperm.xlane v3, v2  }
0x1ae: {  	[tilespmem:s23], [sflag:$0x2] =	stream.indirect_vreg.gather [hbm4b:s9+s2], $0x80, v4, vm0, $0xb8;
	[tilespmem:$0x10800] =	vst v63  }
0x1af: {  	s1 =	simm.s32 $0xB800;
	v3 =	vadd.s32 v1, v3  }
0x1b0: {  	[tilespmem:s1], [sflag:$0x2] =	stream.indirect_vreg.gather [hbm4b:s10+s2], $0x80, v4, vm0, $0xb8;
	[tilespmem:$0x10800] =	vst v63  }
0x1b1: {  	s17 =	simm.s32 $0xC000  }
0x1b2: {  	[tilespmem:s17], [sflag:$0x2] =	stream.indirect_vreg.gather [hbm4b:s11+s2], $0x80, v4, vm0, $0xb8;
	[tilespmem:$0x10800] =	vst v63  }
0x1b3: {  	s21 =	simm.s32 $0xC800  }
0x1b4: {  	[tilespmem:s21], [sflag:$0x2] =	stream.indirect_vreg.gather [hbm4b:s3+s2], $0x80, v3, vm0, $0xb8;
	[tilespmem:$0x10800] =	vst v63  }
0x1b5: {  	s16 =	simm.s32 $0xD000  }
0x1b6: {  	[tilespmem:s16], [sflag:$0x2] =	stream.indirect_vreg.gather [hbm4b:s5+s2], $0x80, v3, vm0, $0xb8;
	[tilespmem:$0x10800] =	vst v63  }
0x1b7: {  	s20 =	simm.s32 $0xD800  }
0x1b8: {  	[tilespmem:s20], [sflag:$0x2] =	stream.indirect_vreg.gather [hbm4b:s6+s2], $0x80, v3, vm0, $0xb8;
	[tilespmem:$0x10800] =	vst v63  }
0x1b9: {  	s22 =	simm.s32 $0xE000  }
0x1ba: {  	[tilespmem:s22], [sflag:$0x2] =	stream.indirect_vreg.gather [hbm4b:s7+s2], $0x80, v3, vm0, $0xb8;
	[tilespmem:$0x10800] =	vst v63  }
0x1bb: {  	s24 =	simm.s32 $0xE800  }
0x1bc: {  	[tilespmem:s24], [sflag:$0x2] =	stream.indirect_vreg.gather [hbm4b:s8+s2], $0x80, v3, vm0, $0xb8;
	[tilespmem:$0x10800] =	vst v63  }
0x1bd: {  	s19 =	simm.s32 $0xF000  }
0x1be: {  	[tilespmem:s19], [sflag:$0x2] =	stream.indirect_vreg.gather [hbm4b:s9+s2], $0x80, v3, vm0, $0xb8;
	[tilespmem:$0x10800] =	vst v63  }
0x1bf: {  	s25 =	simm.s32 $0xF800  }
0x1c0: {  	[tilespmem:s25], [sflag:$0x2] =	stream.indirect_vreg.gather [hbm4b:s10+s2], $0x80, v3, vm0, $0xb8;
	[tilespmem:$0x10800] =	vst v63  }
0x1c1: {  	s23 =	simm.s32 $0x10000  }
0x1c2: {  	[tilespmem:s23], [sflag:$0x2] =	stream.indirect_vreg.gather [hbm4b:s11+s2], $0x80, v3, vm0, $0xb8;
	[tilespmem:$0x10800] =	vst v63  }
0x1c3: {  	_ =	swait.ge [sflag:s26], $0x8000  }
0x1c4: {  	[sflag:s26] =	ssyncset.done $0x0  }
0x1c5: {  	s24 =	rddreg [dreg:$0xa];
	[sflag:s26] =	ssyncadd.s32 $0xFFFF8000  }
0x1c6: {  	[hbm4b:s24+s2] =	stream.linear.scatter [tilespmem:s14], [sflag:$0x3], $0x8000, $0x38;
	[tilespmem:$0x10800] =	vst v63  }
0x1c7: {  	_ =	swait.ge [sflag:s29], $0x8000  }
0x1c8: {  	[sflag:s29] =	ssyncset.done $0x0  }
0x1c9: {  	s25 =	rddreg [dreg:$0xb];
	[sflag:s29] =	ssyncadd.s32 $0xFFFF8000  }
0x1ca: {  	[hbm4b:s25+s2] =	stream.linear.scatter [tilespmem:s31], [sflag:$0x4], $0x8000, $0x38;
	[tilespmem:$0x10800] =	vst v63  }
0x1cb: {  	p0 =	sne.s32 s12, $0x1;
	_ =	swait.ge [sflag:s30], $0x8000  }
.Ltmp0:
0x1cc: {  	[sflag:s30] =	ssyncset.done $0x0;
	(pc) =	sbr.rel @p0 .LBB2_1-.Ltmp0, $4  }
0x1cd: {  	[sflag:s30] =	ssyncadd.s32 $0xFFFF8000  }
0x1ce: {  	_ =	swait.ge [sflag:s28], $0x8000  }
0x1cf: {  	[sflag:s28] =	ssyncset.done $0x0  }
0x1d0: {  	s12 =	sadd.s32 $0xFFFFFFFF, s12;
	[sflag:s28] =	ssyncadd.s32 $0xFFFF8000  }
0x1d1: {  	_ =	sfence.sel $0x180000  }
0x1d2: {  	[bflag:$0x0] =	sbarrier.arrive $0xFFFF  }
0x1d3: {  	_ =	strace $0x90000047  }
0x1d4: {  	s0 =	stileid.u32;
	[bflag:$0x2] =	sbarrier.arrive $0xFFFF  }
0x1d5: {  	p0 =	sne.s32 s0, $0x0;
	s0 =	rddreg [dreg:$0x1]  }
0x1d6: {  	s0 =	sadd.s32 @!p0 $0x100000, s0  }
0x1d7: {  	[sflag:s0] =	ssyncadd.tile.s32 @!p0 $0x1;
	_ =	shalt  }
.Lfunc_end2:
_tile_overlayer_lowered:
.L_overlay_start_2:
0x1d8: {  	(tag) =	ssettag $0x2  }
0x1d9: {  	s0 =	rddreg [dreg:$0x0];
	s2 =	stileid.u32  }
0x1da: {  	s1 =	rddreg [dreg:$0x1];
	p0 =	sne.s32 s2, $0x0  }
0x1db: {  	s3 =	rddreg [dreg:$0x2];
	[bflag:$0x3] =	sbarrier.arrive $0xFFFF;
	s2 =	simm.s32 @!p0 $0x1C05  }
0x1dc: {  	[timem:s3], [sflag:s2] =	dma.local @!p0 [hbm:s0], s1  }
0x1dd: {  	s0 =	simm.s32 @!p0 $0x5  }
0x1de: {  	_ =	swait.ge @!p0 [sflag:s0], s1  }
0x1df: {  	s1 =	ssub.s32 @!p0 $0x0, s1;
	[sflag:s0] =	ssyncset.done @!p0 $0x0  }
0x1e0: {  	[sflag:s0] =	ssyncadd.s32 @!p0 s1  }
0x1e1: {  	[bflag:$0x3] =	sbarrier.arrive $0xFFFF  }
0x1e2: {  	_ =	shalt  }

</sc_bundles>
